<compile_context>
chip_gen: v7x
topology: tpu7x:2x2x1
jax: 0.10.2.dev20260603
libtpu: 0.0.44.dev20260713+nightly
codegen_flags: <defaults>
</compile_context>

<pallas_src>
import functools

import jax
import jax.numpy as jnp
from jax import lax
from jax.experimental import pallas as pl
from jax.experimental.pallas import tpu as pltpu
from jax.experimental.pallas import tpu_sc as plsc

N_NODES = 10000
N_EDGES = 320000
DIM = 128

NUM_CORES = 2
NUM_SUBCORES = 16
NW = NUM_CORES * NUM_SUBCORES

CHUNK = 128
NCH = 80
IB = 8
NBLK = NCH // IB
PAD_E = NW * NCH * CHUNK
TRASH = 8
NACC = N_NODES + TRASH

INIT_PT = NACC // NUM_SUBCORES // 8 * 8
INIT_REM_OFF = INIT_PT * NUM_SUBCORES
OUT_PT = N_NODES // NUM_SUBCORES // 8 * 8
OUT_REM_OFF = OUT_PT * NUM_SUBCORES


def _sc_segment_sum(x, src_p, dst_p, zeros2d, zeros1d):
  mesh = plsc.VectorSubcoreMesh(
      core_axis_name="c", subcore_axis_name="s",
      num_cores=NUM_CORES, num_subcores=NUM_SUBCORES)

  @functools.partial(
      pl.kernel,
      out_type=[
          jax.ShapeDtypeStruct((NUM_CORES, N_NODES, DIM), jnp.float32),
          jax.ShapeDtypeStruct((NUM_CORES, NACC), jnp.float32),
      ],
      mesh=mesh,
      scratch_types=[
          pltpu.VMEM((CHUNK,), jnp.int32),
          pltpu.VMEM((CHUNK,), jnp.int32),
          pltpu.VMEM((CHUNK,), jnp.int32),
          pltpu.VMEM((CHUNK,), jnp.int32),
          pltpu.VMEM((CHUNK, DIM), jnp.float32),
          pltpu.VMEM((CHUNK,), jnp.float32),
          pltpu.VMEM_SHARED((NACC, DIM), jnp.float32),
          pltpu.VMEM_SHARED((NACC,), jnp.float32),
          pltpu.SemaphoreType.DMA,
          pltpu.SemaphoreType.DMA((2,)),
      ],
  )
  def k(x_hbm, src_hbm, dst_hbm, z2_hbm, z1_hbm, parts_hbm, degs_hbm,
        idx_d0, idx_d1, idx_s0, idx_s1, rows, ones_v,
        acc_sh, deg_sh, gsem, isem):
    c = lax.axis_index("c")
    s = lax.axis_index("s")
    w = s * NUM_CORES + c
    idx_d = [idx_d0, idx_d1]
    idx_s = [idx_s0, idx_s1]

    for j in range(CHUNK // 16):
      ones_v[pl.ds(j * 16, 16)] = jnp.ones((16,), jnp.float32)

    pltpu.sync_copy(z2_hbm.at[pl.ds(s * INIT_PT, INIT_PT)],
                    acc_sh.at[pl.ds(s * INIT_PT, INIT_PT)])

    @pl.when(s == 0)
    def _():
      rem = NACC - INIT_REM_OFF
      pltpu.sync_copy(z2_hbm.at[pl.ds(INIT_REM_OFF, rem)],
                      acc_sh.at[pl.ds(INIT_REM_OFF, rem)])
      pltpu.sync_copy(z1_hbm, deg_sh)

    def load_idx(j, b):
      pltpu.async_copy(dst_hbm.at[w, j], idx_d[b], isem.at[b])
      pltpu.async_copy(src_hbm.at[w, j], idx_s[b], isem.at[b])

    def wait_idx(b):
      pltpu.make_async_copy(dst_hbm.at[w, 0], idx_d[b], isem.at[b]).wait()
      pltpu.make_async_copy(src_hbm.at[w, 0], idx_s[b], isem.at[b]).wait()

    plsc.subcore_barrier()

    load_idx(0, 0)
    load_idx(1, 1)

    def body(k2, carry):
      for b in range(2):
        j = 2 * k2 + b
        wait_idx(b)
        pltpu.async_copy(x_hbm.at[idx_d[b]], rows, gsem).wait()
        pltpu.sync_copy(rows, acc_sh.at[idx_s[b]], add=True)
        pltpu.sync_copy(ones_v, deg_sh.at[idx_s[b]], add=True)

        @pl.when(j + 2 < NCH)
        def _():
          load_idx(j + 2, b)

      return carry

    lax.fori_loop(0, NCH // 2, body, 0)

    plsc.subcore_barrier()

    row0 = s * OUT_PT
    pltpu.sync_copy(acc_sh.at[pl.ds(row0, OUT_PT)],
                    parts_hbm.at[c, pl.ds(row0, OUT_PT)])

    @pl.when(s == 0)
    def _():
      rem = N_NODES - OUT_REM_OFF
      pltpu.sync_copy(acc_sh.at[pl.ds(OUT_REM_OFF, rem)],
                      parts_hbm.at[c, pl.ds(OUT_REM_OFF, rem)])
      pltpu.sync_copy(deg_sh, degs_hbm.at[c])

  return k(x, src_p, dst_p, zeros2d, zeros1d)


BLK = 2000


def _tc_combine(x, parts, degs_t, wst, bs, wnt, bn):

  def body(x_ref, p_ref, d_ref, ws_ref, bs_ref, wn_ref, bn_ref, o_ref):
    xb = x_ref[...]
    sm = jnp.dot(xb, ws_ref[...], preferred_element_type=jnp.float32)
    sm = sm + bs_ref[...]
    psum = p_ref[0] + p_ref[1]
    deg = d_ref[:, 0:1] + d_ref[:, 1:2]
    mean = psum / jnp.maximum(deg, 1.0)
    nm = jnp.dot(mean, wn_ref[...], preferred_element_type=jnp.float32)
    nm = jnp.where(deg > 0.0, nm + bn_ref[...], 0.0)
    o_ref[...] = jnp.maximum(sm + nm, 0.0)

  return pl.pallas_call(
      body,
      grid=(N_NODES // BLK,),
      in_specs=[
          pl.BlockSpec((BLK, DIM), lambda i: (i, 0)),
          pl.BlockSpec((NUM_CORES, BLK, DIM), lambda i: (0, i, 0)),
          pl.BlockSpec((BLK, NUM_CORES), lambda i: (i, 0)),
          pl.BlockSpec((DIM, DIM), lambda i: (0, 0)),
          pl.BlockSpec((1, DIM), lambda i: (0, 0)),
          pl.BlockSpec((DIM, DIM), lambda i: (0, 0)),
          pl.BlockSpec((1, DIM), lambda i: (0, 0)),
      ],
      out_specs=pl.BlockSpec((BLK, DIM), lambda i: (i, 0)),
      out_shape=jax.ShapeDtypeStruct((N_NODES, DIM), jnp.float32),
  )(x, parts, degs_t, wst, bs, wnt, bn)


def kernel(x, edge_index, W_self, b_self, W_neigh, b_neigh):
  src = edge_index[0]
  dst = edge_index[1]
  pad = PAD_E - N_EDGES
  trash = N_NODES + (jnp.arange(pad, dtype=jnp.int32) % TRASH)
  src_p = (jnp.concatenate([src, trash])
           .reshape(NCH, NW, CHUNK).transpose(1, 0, 2))
  dst_p = (jnp.concatenate([dst, jnp.zeros((pad,), jnp.int32)])
           .reshape(NCH, NW, CHUNK).transpose(1, 0, 2))
  zeros2d = jnp.zeros((NACC, DIM), jnp.float32)
  zeros1d = jnp.zeros((NACC,), jnp.float32)
  parts, degs = _sc_segment_sum(x, src_p, dst_p, zeros2d, zeros1d)
  degs = degs[:, :N_NODES]
  return _tc_combine(x, parts, degs.T, W_self.T, b_self[None, :],
                     W_neigh.T, b_neigh[None, :])

# --- scband reference (transcript-rebuilt; emitter-appended) ---
"""Pipeline reference for scband-graph-sageaggregator-31413390803231 (READ-ONLY COPY).

The authoritative reference and input builder live on the scoring server;
editing this copy changes nothing except your own understanding.
"""

import jax, jax.numpy as jnp
import numpy as np

N, E, D = 10000, 320000, 128

def setup_inputs(seed: int = 0) -> dict:
    key = jax.random.key(seed)
    k1, k2, k3, k4, k5, k6 = jax.random.split(key, 6)
    x = jax.random.normal(k1, (N, D), dtype=jnp.float32)
    edge_index = jax.random.randint(k2, (2, E), 0, N, dtype=jnp.int32)
    bound = 1.0 / np.sqrt(D)
    W_self = jax.random.uniform(k3, (D, D), dtype=jnp.float32, minval=-bound, maxval=bound)
    b_self = jax.random.uniform(k4, (D,), dtype=jnp.float32, minval=-bound, maxval=bound)
    W_neigh = jax.random.uniform(k5, (D, D), dtype=jnp.float32, minval=-bound, maxval=bound)
    b_neigh = jax.random.uniform(k6, (D,), dtype=jnp.float32, minval=-bound, maxval=bound)
    return {"x": x, "edge_index": edge_index, "W_self": W_self, "b_self": b_self, "W_neigh": W_neigh, "b_neigh": b_neigh}

def reference(x, edge_index, W_self, b_self, W_neigh, b_neigh):
    # GraphSAGE mean aggregator (tensorized form of the dict-based loop):
    # for each user u: self_msg = Linear_self(x[u]);
    # neigh_msg = Linear_neigh(mean over outgoing-edge targets) if deg>0 else 0;
    # new_state[u] = relu(self_msg + neigh_msg)
    n = x.shape[0]
    src = edge_index[0]
    dst = edge_index[1]
    self_msg = x @ W_self.T + b_self
    neigh_sum = jax.ops.segment_sum(x[dst], src, num_segments=n)
    deg = jax.ops.segment_sum(jnp.ones((dst.shape[0],), dtype=x.dtype), src, num_segments=n)
    neigh_mean = neigh_sum / jnp.maximum(deg, 1.0)[:, None]
    neigh_msg = neigh_mean @ W_neigh.T + b_neigh
    # original code returns exact zeros (no bias) for nodes with no outgoing edges
    neigh_msg = jnp.where(deg[:, None] > 0, neigh_msg, 0.0)
    return jax.nn.relu(self_msg + neigh_msg)

if __name__ == "__main__":
    import jax
    _d = setup_inputs()
    print(jax.jit(kernel)(*tuple(_d.values())))

</pallas_src>

<mosaic_0001>
#map = affine_map<(d0, d1) -> (0, 0)>
#map1 = affine_map<(d0, d1) -> (0, 0, 0)>
#map2 = affine_map<(d0, d1) -> (0)>
module attributes {stable_mosaic.version = 14 : i64} {
  func.func @k(%arg0: i32, %arg1: i32, %arg2: memref<10000x128xf32, #tpu.memory_space<hbm>>, %arg3: memref<32x80x128xi32, #tpu.memory_space<hbm>>, %arg4: memref<32x80x128xi32, #tpu.memory_space<hbm>>, %arg5: memref<10008x128xf32, #tpu.memory_space<hbm>>, %arg6: memref<10008xf32, #tpu.memory_space<hbm>>, %arg7: memref<2x10000x128xf32, #tpu.memory_space<hbm>>, %arg8: memref<2x10008xf32, #tpu.memory_space<hbm>>, %arg9: memref<128xi32, #tpu.memory_space<vmem>>, %arg10: memref<128xi32, #tpu.memory_space<vmem>>, %arg11: memref<128xi32, #tpu.memory_space<vmem>>, %arg12: memref<128xi32, #tpu.memory_space<vmem>>, %arg13: memref<128x128xf32, #tpu.memory_space<vmem>>, %arg14: memref<128xf32, #tpu.memory_space<vmem>>, %arg15: memref<10008x128xf32, #tpu.memory_space<vmem_shared>>, %arg16: memref<10008xf32, #tpu.memory_space<vmem_shared>>, %arg17: memref<!tpu.dma_semaphore, #tpu.memory_space<semaphore_mem>>, %arg18: memref<2x!tpu.dma_semaphore, #tpu.memory_space<semaphore_mem>>) attributes {dimension_semantics = [#tpu.dimension_semantics<core_parallel>, #tpu.dimension_semantics<subcore_parallel>], iteration_bounds = array<i64: 2, 16>, scalar_prefetch = 0 : i64, scratch_operands = 10 : i64, tpu.core_type = #tpu.core_type<sc_vector_subcore>, window_params = [{transform_indices = #map}, {transform_indices = #map1}, {transform_indices = #map1}, {transform_indices = #map}, {transform_indices = #map2}, {transform_indices = #map1}, {transform_indices = #map}]} {
    %mul3A = arith.constant 2 : i32
    %mul3A_0 = arith.muli %arg1, %mul3A : i32
    %add3A = arith.addi %mul3A_0, %arg0 : i32
    %broadcast_in_dim3A = arith.constant 1.000000e+00 : f32
    %broadcast_in_dim3A_1 = vector.broadcast %broadcast_in_dim3A : f32 to vector<16xf32>
    %swap3A = arith.constant 0 : index
    %swap3A_2 = tpu.vector_load %arg14[%swap3A] {strides = array<i32>} : memref<128xf32, #tpu.memory_space<vmem>>, vector<16xf32>,
    %swap3A_3 = vector.shape_cast %swap3A_2 : vector<16xf32> to vector<16xf32>
    %swap3A_4 = vector.shape_cast %broadcast_in_dim3A_1 : vector<16xf32> to vector<16xf32>
    tpu.vector_store %arg14[%swap3A], %swap3A_4 {strides = array<i32>} : memref<128xf32, #tpu.memory_space<vmem>>, vector<16xf32>,
    %broadcast_in_dim3A_5 = arith.constant 1.000000e+00 : f32
    %broadcast_in_dim3A_6 = vector.broadcast %broadcast_in_dim3A_5 : f32 to vector<16xf32>
    %swap3A_7 = arith.constant 16 : index
    %swap3A_8 = tpu.vector_load %arg14[%swap3A_7] {strides = array<i32>} : memref<128xf32, #tpu.memory_space<vmem>>, vector<16xf32>,
    %swap3A_9 = vector.shape_cast %swap3A_8 : vector<16xf32> to vector<16xf32>
    %swap3A_10 = vector.shape_cast %broadcast_in_dim3A_6 : vector<16xf32> to vector<16xf32>
    tpu.vector_store %arg14[%swap3A_7], %swap3A_10 {strides = array<i32>} : memref<128xf32, #tpu.memory_space<vmem>>, vector<16xf32>,
    %broadcast_in_dim3A_11 = arith.constant 1.000000e+00 : f32
    %broadcast_in_dim3A_12 = vector.broadcast %broadcast_in_dim3A_11 : f32 to vector<16xf32>
    %swap3A_13 = arith.constant 32 : index
    %swap3A_14 = tpu.vector_load %arg14[%swap3A_13] {strides = array<i32>} : memref<128xf32, #tpu.memory_space<vmem>>, vector<16xf32>,
    %swap3A_15 = vector.shape_cast %swap3A_14 : vector<16xf32> to vector<16xf32>
    %swap3A_16 = vector.shape_cast %broadcast_in_dim3A_12 : vector<16xf32> to vector<16xf32>
    tpu.vector_store %arg14[%swap3A_13], %swap3A_16 {strides = array<i32>} : memref<128xf32, #tpu.memory_space<vmem>>, vector<16xf32>,
    %broadcast_in_dim3A_17 = arith.constant 1.000000e+00 : f32
    %broadcast_in_dim3A_18 = vector.broadcast %broadcast_in_dim3A_17 : f32 to vector<16xf32>
    %swap3A_19 = arith.constant 48 : index
    %swap3A_20 = tpu.vector_load %arg14[%swap3A_19] {strides = array<i32>} : memref<128xf32, #tpu.memory_space<vmem>>, vector<16xf32>,
    %swap3A_21 = vector.shape_cast %swap3A_20 : vector<16xf32> to vector<16xf32>
    %swap3A_22 = vector.shape_cast %broadcast_in_dim3A_18 : vector<16xf32> to vector<16xf32>
    tpu.vector_store %arg14[%swap3A_19], %swap3A_22 {strides = array<i32>} : memref<128xf32, #tpu.memory_space<vmem>>, vector<16xf32>,
    %broadcast_in_dim3A_23 = arith.constant 1.000000e+00 : f32
    %broadcast_in_dim3A_24 = vector.broadcast %broadcast_in_dim3A_23 : f32 to vector<16xf32>
    %swap3A_25 = arith.constant 64 : index
    %swap3A_26 = tpu.vector_load %arg14[%swap3A_25] {strides = array<i32>} : memref<128xf32, #tpu.memory_space<vmem>>, vector<16xf32>,
    %swap3A_27 = vector.shape_cast %swap3A_26 : vector<16xf32> to vector<16xf32>
    %swap3A_28 = vector.shape_cast %broadcast_in_dim3A_24 : vector<16xf32> to vector<16xf32>
    tpu.vector_store %arg14[%swap3A_25], %swap3A_28 {strides = array<i32>} : memref<128xf32, #tpu.memory_space<vmem>>, vector<16xf32>,
    %broadcast_in_dim3A_29 = arith.constant 1.000000e+00 : f32
    %broadcast_in_dim3A_30 = vector.broadcast %broadcast_in_dim3A_29 : f32 to vector<16xf32>
    %swap3A_31 = arith.constant 80 : index
    %swap3A_32 = tpu.vector_load %arg14[%swap3A_31] {strides = array<i32>} : memref<128xf32, #tpu.memory_space<vmem>>, vector<16xf32>,
    %swap3A_33 = vector.shape_cast %swap3A_32 : vector<16xf32> to vector<16xf32>
    %swap3A_34 = vector.shape_cast %broadcast_in_dim3A_30 : vector<16xf32> to vector<16xf32>
    tpu.vector_store %arg14[%swap3A_31], %swap3A_34 {strides = array<i32>} : memref<128xf32, #tpu.memory_space<vmem>>, vector<16xf32>,
    %broadcast_in_dim3A_35 = arith.constant 1.000000e+00 : f32
    %broadcast_in_dim3A_36 = vector.broadcast %broadcast_in_dim3A_35 : f32 to vector<16xf32>
    %swap3A_37 = arith.constant 96 : index
    %swap3A_38 = tpu.vector_load %arg14[%swap3A_37] {strides = array<i32>} : memref<128xf32, #tpu.memory_space<vmem>>, vector<16xf32>,
    %swap3A_39 = vector.shape_cast %swap3A_38 : vector<16xf32> to vector<16xf32>
    %swap3A_40 = vector.shape_cast %broadcast_in_dim3A_36 : vector<16xf32> to vector<16xf32>
    tpu.vector_store %arg14[%swap3A_37], %swap3A_40 {strides = array<i32>} : memref<128xf32, #tpu.memory_space<vmem>>, vector<16xf32>,
    %broadcast_in_dim3A_41 = arith.constant 1.000000e+00 : f32
    %broadcast_in_dim3A_42 = vector.broadcast %broadcast_in_dim3A_41 : f32 to vector<16xf32>
    %swap3A_43 = arith.constant 112 : index
    %swap3A_44 = tpu.vector_load %arg14[%swap3A_43] {strides = array<i32>} : memref<128xf32, #tpu.memory_space<vmem>>, vector<16xf32>,
    %swap3A_45 = vector.shape_cast %swap3A_44 : vector<16xf32> to vector<16xf32>
    %swap3A_46 = vector.shape_cast %broadcast_in_dim3A_42 : vector<16xf32> to vector<16xf32>
    tpu.vector_store %arg14[%swap3A_43], %swap3A_46 {strides = array<i32>} : memref<128xf32, #tpu.memory_space<vmem>>, vector<16xf32>,
    %mul3A_47 = arith.constant 624 : i32
    %mul3A_48 = arith.muli %arg1, %mul3A_47 : i32
    %mul3A_49 = arith.constant 624 : i32
    %mul3A_50 = arith.muli %arg1, %mul3A_49 : i32
    "tpu.region"() ({
      %run_scoped3A = tpu.sem_alloc : memref<!tpu.dma_semaphore, #tpu.memory_space<semaphore_mem>>
      %dma_start3A_105 = arith.constant 0 : i32
      %dma_start3A_106 = tpu.memref_slice %arg15[%mul3A_50, %dma_start3A_105] : memref<10008x128xf32, #tpu.memory_space<vmem_shared>> -> memref<624x128xf32, #tpu.memory_space<vmem_shared>>
      %dma_start3A_107 = arith.constant 0 : i32
      %dma_start3A_108 = tpu.memref_slice %arg5[%mul3A_48, %dma_start3A_107] : memref<10008x128xf32, #tpu.memory_space<hbm>> -> memref<624x128xf32, #tpu.memory_space<hbm>>
      tpu.enqueue_dma source(%dma_start3A_108 : memref<624x128xf32, #tpu.memory_space<hbm>>) target(%dma_start3A_106 : memref<624x128xf32, #tpu.memory_space<vmem_shared>>) target_semaphore(%run_scoped3A : memref<!tpu.dma_semaphore, #tpu.memory_space<semaphore_mem>>)
      %dma_wait3A = arith.constant 0 : i32
      %dma_wait3A_109 = tpu.memref_slice %arg15[%mul3A_50, %dma_wait3A] : memref<10008x128xf32, #tpu.memory_space<vmem_shared>> -> memref<624x128xf32, #tpu.memory_space<vmem_shared>>
      %dma_wait3A_110 = arith.constant 0 : i32
      %dma_wait3A_111 = tpu.memref_slice %arg5[%mul3A_48, %dma_wait3A_110] : memref<10008x128xf32, #tpu.memory_space<hbm>> -> memref<624x128xf32, #tpu.memory_space<hbm>>
      tpu.wait_dma2 semaphore(%run_scoped3A : memref<!tpu.dma_semaphore, #tpu.memory_space<semaphore_mem>>) src(%dma_wait3A_111 : memref<624x128xf32, #tpu.memory_space<hbm>>) dst(%dma_wait3A_109 : memref<624x128xf32, #tpu.memory_space<vmem_shared>>)
      tpu.yield
    }) : () -> ()
    %eq3A = arith.constant 0 : i32
    %eq3A_51 = arith.cmpi eq, %arg1, %eq3A : i32
    %convert_element_type3A = arith.extui %eq3A_51 : i1 to i32
    %cond3A = arith.constant 0 : i32
    %cond3A_52 = arith.cmpi ne, %convert_element_type3A, %cond3A : i32
    scf.if %cond3A_52 {
      "tpu.region"() ({
        %run_scoped3A = tpu.sem_alloc : memref<!tpu.dma_semaphore, #tpu.memory_space<semaphore_mem>>
        %dma_start3A_105 = arith.constant 9984 : i32
        %dma_start3A_106 = arith.constant 0 : i32
        %dma_start3A_107 = tpu.memref_slice %arg15[%dma_start3A_105, %dma_start3A_106] : memref<10008x128xf32, #tpu.memory_space<vmem_shared>> -> memref<24x128xf32, #tpu.memory_space<vmem_shared>>
        %dma_start3A_108 = arith.constant 9984 : i32
        %dma_start3A_109 = arith.constant 0 : i32
        %dma_start3A_110 = tpu.memref_slice %arg5[%dma_start3A_108, %dma_start3A_109] : memref<10008x128xf32, #tpu.memory_space<hbm>> -> memref<24x128xf32, #tpu.memory_space<hbm>>
        tpu.enqueue_dma source(%dma_start3A_110 : memref<24x128xf32, #tpu.memory_space<hbm>>) target(%dma_start3A_107 : memref<24x128xf32, #tpu.memory_space<vmem_shared>>) target_semaphore(%run_scoped3A : memref<!tpu.dma_semaphore, #tpu.memory_space<semaphore_mem>>)
        %dma_wait3A = arith.constant 9984 : i32
        %dma_wait3A_111 = arith.constant 0 : i32
        %dma_wait3A_112 = tpu.memref_slice %arg15[%dma_wait3A, %dma_wait3A_111] : memref<10008x128xf32, #tpu.memory_space<vmem_shared>> -> memref<24x128xf32, #tpu.memory_space<vmem_shared>>
        %dma_wait3A_113 = arith.constant 9984 : i32
        %dma_wait3A_114 = arith.constant 0 : i32
        %dma_wait3A_115 = tpu.memref_slice %arg5[%dma_wait3A_113, %dma_wait3A_114] : memref<10008x128xf32, #tpu.memory_space<hbm>> -> memref<24x128xf32, #tpu.memory_space<hbm>>
        tpu.wait_dma2 semaphore(%run_scoped3A : memref<!tpu.dma_semaphore, #tpu.memory_space<semaphore_mem>>) src(%dma_wait3A_115 : memref<24x128xf32, #tpu.memory_space<hbm>>) dst(%dma_wait3A_112 : memref<24x128xf32, #tpu.memory_space<vmem_shared>>)
        tpu.yield
      }) : () -> ()
      "tpu.region"() ({
        %run_scoped3A = tpu.sem_alloc : memref<!tpu.dma_semaphore, #tpu.memory_space<semaphore_mem>>
        tpu.enqueue_dma source(%arg6 : memref<10008xf32, #tpu.memory_space<hbm>>) target(%arg16 : memref<10008xf32, #tpu.memory_space<vmem_shared>>) target_semaphore(%run_scoped3A : memref<!tpu.dma_semaphore, #tpu.memory_space<semaphore_mem>>)
        tpu.wait_dma2 semaphore(%run_scoped3A : memref<!tpu.dma_semaphore, #tpu.memory_space<semaphore_mem>>) src(%arg6 : memref<10008xf32, #tpu.memory_space<hbm>>) dst(%arg16 : memref<10008xf32, #tpu.memory_space<vmem_shared>>)
        tpu.yield
      }) : () -> ()
    } else {
    }
    %barrier3A = arith.constant 0 : index
    tpu.barrier barrier_id(%barrier3A)
    %dma_start3A = arith.constant 0 : i32
    %dma_start3A_53 = arith.constant 0 : i32
    %dma_start3A_54 = arith.constant 0 : i32
    %dma_start3A_55 = tpu.memref_slice %arg4[%add3A, %dma_start3A, %dma_start3A_54] : memref<32x80x128xi32, #tpu.memory_space<hbm>> -> memref<1x1x128xi32, #tpu.memory_space<hbm>>
    %dma_start3A_56 = tpu.memref_squeeze %dma_start3A_55 : memref<1x1x128xi32, #tpu.memory_space<hbm>> -> memref<128xi32, #tpu.memory_space<hbm>>
    %dma_start3A_57 = tpu.memref_slice %arg18[%dma_start3A_53] : memref<2x!tpu.dma_semaphore, #tpu.memory_space<semaphore_mem>> -> memref<1x!tpu.dma_semaphore, #tpu.memory_space<semaphore_mem>>
    %dma_start3A_58 = tpu.memref_squeeze %dma_start3A_57 : memref<1x!tpu.dma_semaphore, #tpu.memory_space<semaphore_mem>> -> memref<!tpu.dma_semaphore, #tpu.memory_space<semaphore_mem>>
    %dma_start3A_59 = arith.constant 0 : i32
    %dma_start3A_60 = tpu.memref_slice %arg4[%add3A, %dma_start3A, %dma_start3A_59] : memref<32x80x128xi32, #tpu.memory_space<hbm>> -> memref<1x1x128xi32, #tpu.memory_space<hbm>>
    %dma_start3A_61 = tpu.memref_squeeze %dma_start3A_60 : memref<1x1x128xi32, #tpu.memory_space<hbm>> -> memref<128xi32, #tpu.memory_space<hbm>>
    tpu.enqueue_dma source(%dma_start3A_61 : memref<128xi32, #tpu.memory_space<hbm>>) target(%arg9 : memref<128xi32, #tpu.memory_space<vmem>>) target_semaphore(%dma_start3A_58 : memref<!tpu.dma_semaphore, #tpu.memory_space<semaphore_mem>>)
    %dma_start3A_62 = arith.constant 0 : i32
    %dma_start3A_63 = arith.constant 0 : i32
    %dma_start3A_64 = arith.constant 0 : i32
    %dma_start3A_65 = tpu.memref_slice %arg3[%add3A, %dma_start3A_62, %dma_start3A_64] : memref<32x80x128xi32, #tpu.memory_space<hbm>> -> memref<1x1x128xi32, #tpu.memory_space<hbm>>
    %dma_start3A_66 = tpu.memref_squeeze %dma_start3A_65 : memref<1x1x128xi32, #tpu.memory_space<hbm>> -> memref<128xi32, #tpu.memory_space<hbm>>
    %dma_start3A_67 = tpu.memref_slice %arg18[%dma_start3A_63] : memref<2x!tpu.dma_semaphore, #tpu.memory_space<semaphore_mem>> -> memref<1x!tpu.dma_semaphore, #tpu.memory_space<semaphore_mem>>
    %dma_start3A_68 = tpu.memref_squeeze %dma_start3A_67 : memref<1x!tpu.dma_semaphore, #tpu.memory_space<semaphore_mem>> -> memref<!tpu.dma_semaphore, #tpu.memory_space<semaphore_mem>>
    %dma_start3A_69 = arith.constant 0 : i32
    %dma_start3A_70 = tpu.memref_slice %arg3[%add3A, %dma_start3A_62, %dma_start3A_69] : memref<32x80x128xi32, #tpu.memory_space<hbm>> -> memref<1x1x128xi32, #tpu.memory_space<hbm>>
    %dma_start3A_71 = tpu.memref_squeeze %dma_start3A_70 : memref<1x1x128xi32, #tpu.memory_space<hbm>> -> memref<128xi32, #tpu.memory_space<hbm>>
    tpu.enqueue_dma source(%dma_start3A_71 : memref<128xi32, #tpu.memory_space<hbm>>) target(%arg11 : memref<128xi32, #tpu.memory_space<vmem>>) target_semaphore(%dma_start3A_68 : memref<!tpu.dma_semaphore, #tpu.memory_space<semaphore_mem>>)
    %dma_start3A_72 = arith.constant 1 : i32
    %dma_start3A_73 = arith.constant 1 : i32
    %dma_start3A_74 = arith.constant 0 : i32
    %dma_start3A_75 = tpu.memref_slice %arg4[%add3A, %dma_start3A_72, %dma_start3A_74] : memref<32x80x128xi32, #tpu.memory_space<hbm>> -> memref<1x1x128xi32, #tpu.memory_space<hbm>>
    %dma_start3A_76 = tpu.memref_squeeze %dma_start3A_75 : memref<1x1x128xi32, #tpu.memory_space<hbm>> -> memref<128xi32, #tpu.memory_space<hbm>>
    %dma_start3A_77 = tpu.memref_slice %arg18[%dma_start3A_73] : memref<2x!tpu.dma_semaphore, #tpu.memory_space<semaphore_mem>> -> memref<1x!tpu.dma_semaphore, #tpu.memory_space<semaphore_mem>>
    %dma_start3A_78 = tpu.memref_squeeze %dma_start3A_77 : memref<1x!tpu.dma_semaphore, #tpu.memory_space<semaphore_mem>> -> memref<!tpu.dma_semaphore, #tpu.memory_space<semaphore_mem>>
    %dma_start3A_79 = arith.constant 0 : i32
    %dma_start3A_80 = tpu.memref_slice %arg4[%add3A, %dma_start3A_72, %dma_start3A_79] : memref<32x80x128xi32, #tpu.memory_space<hbm>> -> memref<1x1x128xi32, #tpu.memory_space<hbm>>
    %dma_start3A_81 = tpu.memref_squeeze %dma_start3A_80 : memref<1x1x128xi32, #tpu.memory_space<hbm>> -> memref<128xi32, #tpu.memory_space<hbm>>
    tpu.enqueue_dma source(%dma_start3A_81 : memref<128xi32, #tpu.memory_space<hbm>>) target(%arg10 : memref<128xi32, #tpu.memory_space<vmem>>) target_semaphore(%dma_start3A_78 : memref<!tpu.dma_semaphore, #tpu.memory_space<semaphore_mem>>)
    %dma_start3A_82 = arith.constant 1 : i32
    %dma_start3A_83 = arith.constant 1 : i32
    %dma_start3A_84 = arith.constant 0 : i32
    %dma_start3A_85 = tpu.memref_slice %arg3[%add3A, %dma_start3A_82, %dma_start3A_84] : memref<32x80x128xi32, #tpu.memory_space<hbm>> -> memref<1x1x128xi32, #tpu.memory_space<hbm>>
    %dma_start3A_86 = tpu.memref_squeeze %dma_start3A_85 : memref<1x1x128xi32, #tpu.memory_space<hbm>> -> memref<128xi32, #tpu.memory_space<hbm>>
    %dma_start3A_87 = tpu.memref_slice %arg18[%dma_start3A_83] : memref<2x!tpu.dma_semaphore, #tpu.memory_space<semaphore_mem>> -> memref<1x!tpu.dma_semaphore, #tpu.memory_space<semaphore_mem>>
    %dma_start3A_88 = tpu.memref_squeeze %dma_start3A_87 : memref<1x!tpu.dma_semaphore, #tpu.memory_space<semaphore_mem>> -> memref<!tpu.dma_semaphore, #tpu.memory_space<semaphore_mem>>
    %dma_start3A_89 = arith.constant 0 : i32
    %dma_start3A_90 = tpu.memref_slice %arg3[%add3A, %dma_start3A_82, %dma_start3A_89] : memref<32x80x128xi32, #tpu.memory_space<hbm>> -> memref<1x1x128xi32, #tpu.memory_space<hbm>>
    %dma_start3A_91 = tpu.memref_squeeze %dma_start3A_90 : memref<1x1x128xi32, #tpu.memory_space<hbm>> -> memref<128xi32, #tpu.memory_space<hbm>>
    tpu.enqueue_dma source(%dma_start3A_91 : memref<128xi32, #tpu.memory_space<hbm>>) target(%arg12 : memref<128xi32, #tpu.memory_space<vmem>>) target_semaphore(%dma_start3A_88 : memref<!tpu.dma_semaphore, #tpu.memory_space<semaphore_mem>>)
    %scan3A = arith.constant 0 : i32
    %scan3A_92 = arith.constant 0 : i32
    %scan3A_93 = arith.constant 40 : i32
    %scan3A_94 = arith.addi %scan3A_92, %scan3A_93 : i32
    %scan3A_95 = arith.constant 1 : i32
    scf.for %scan3A_105 = %scan3A_92 to %scan3A_94 step %scan3A_95  : i32 {
      %mul3A_106 = arith.constant 2 : i32
      %mul3A_107 = arith.muli %mul3A_106, %scan3A_105 : i32
      %add3A_108 = arith.constant 0 : i32
      %add3A_109 = arith.addi %mul3A_107, %add3A_108 : i32
      %dma_wait3A = arith.constant 0 : i32
      %dma_wait3A_110 = arith.constant 0 : i32
      %dma_wait3A_111 = arith.constant 0 : i32
      %dma_wait3A_112 = tpu.memref_slice %arg4[%add3A, %dma_wait3A, %dma_wait3A_111] : memref<32x80x128xi32, #tpu.memory_space<hbm>> -> memref<1x1x128xi32, #tpu.memory_space<hbm>>
      %dma_wait3A_113 = tpu.memref_squeeze %dma_wait3A_112 : memref<1x1x128xi32, #tpu.memory_space<hbm>> -> memref<128xi32, #tpu.memory_space<hbm>>
      %dma_wait3A_114 = tpu.memref_slice %arg18[%dma_wait3A_110] : memref<2x!tpu.dma_semaphore, #tpu.memory_space<semaphore_mem>> -> memref<1x!tpu.dma_semaphore, #tpu.memory_space<semaphore_mem>>
      %dma_wait3A_115 = tpu.memref_squeeze %dma_wait3A_114 : memref<1x!tpu.dma_semaphore, #tpu.memory_space<semaphore_mem>> -> memref<!tpu.dma_semaphore, #tpu.memory_space<semaphore_mem>>
      %dma_wait3A_116 = arith.constant 0 : i32
      %dma_wait3A_117 = tpu.memref_slice %arg4[%add3A, %dma_wait3A, %dma_wait3A_116] : memref<32x80x128xi32, #tpu.memory_space<hbm>> -> memref<1x1x128xi32, #tpu.memory_space<hbm>>
      %dma_wait3A_118 = tpu.memref_squeeze %dma_wait3A_117 : memref<1x1x128xi32, #tpu.memory_space<hbm>> -> memref<128xi32, #tpu.memory_space<hbm>>
      tpu.wait_dma2 semaphore(%dma_wait3A_115 : memref<!tpu.dma_semaphore, #tpu.memory_space<semaphore_mem>>) src(%dma_wait3A_118 : memref<128xi32, #tpu.memory_space<hbm>>) dst(%arg9 : memref<128xi32, #tpu.memory_space<vmem>>)
      %dma_wait3A_119 = arith.constant 0 : i32
      %dma_wait3A_120 = arith.constant 0 : i32
      %dma_wait3A_121 = arith.constant 0 : i32
      %dma_wait3A_122 = tpu.memref_slice %arg3[%add3A, %dma_wait3A_119, %dma_wait3A_121] : memref<32x80x128xi32, #tpu.memory_space<hbm>> -> memref<1x1x128xi32, #tpu.memory_space<hbm>>
      %dma_wait3A_123 = tpu.memref_squeeze %dma_wait3A_122 : memref<1x1x128xi32, #tpu.memory_space<hbm>> -> memref<128xi32, #tpu.memory_space<hbm>>
      %dma_wait3A_124 = tpu.memref_slice %arg18[%dma_wait3A_120] : memref<2x!tpu.dma_semaphore, #tpu.memory_space<semaphore_mem>> -> memref<1x!tpu.dma_semaphore, #tpu.memory_space<semaphore_mem>>
      %dma_wait3A_125 = tpu.memref_squeeze %dma_wait3A_124 : memref<1x!tpu.dma_semaphore, #tpu.memory_space<semaphore_mem>> -> memref<!tpu.dma_semaphore, #tpu.memory_space<semaphore_mem>>
      %dma_wait3A_126 = arith.constant 0 : i32
      %dma_wait3A_127 = tpu.memref_slice %arg3[%add3A, %dma_wait3A_119, %dma_wait3A_126] : memref<32x80x128xi32, #tpu.memory_space<hbm>> -> memref<1x1x128xi32, #tpu.memory_space<hbm>>
      %dma_wait3A_128 = tpu.memref_squeeze %dma_wait3A_127 : memref<1x1x128xi32, #tpu.memory_space<hbm>> -> memref<128xi32, #tpu.memory_space<hbm>>
      tpu.wait_dma2 semaphore(%dma_wait3A_125 : memref<!tpu.dma_semaphore, #tpu.memory_space<semaphore_mem>>) src(%dma_wait3A_128 : memref<128xi32, #tpu.memory_space<hbm>>) dst(%arg11 : memref<128xi32, #tpu.memory_space<vmem>>)
      %dma_start3A_129 = arith.constant 0 : i32
      %dma_start3A_130 = arith.constant 0 : i32
      %dma_start3A_131 = tpu.memref_slice %arg2[%dma_start3A_129, %dma_start3A_130] : memref<10000x128xf32, #tpu.memory_space<hbm>> -> memref<10000x128xf32, #tpu.memory_space<hbm>>
      tpu.enqueue_indirect_dma source(%dma_start3A_131 : memref<10000x128xf32, #tpu.memory_space<hbm>>) target(%arg13 : memref<128x128xf32, #tpu.memory_space<vmem>>) offsets(%arg9 : memref<128xi32, #tpu.memory_space<vmem>>) semaphore(%arg17 : memref<!tpu.dma_semaphore, #tpu.memory_space<semaphore_mem>>)
      %dma_wait3A_132 = arith.constant 0 : i32
      %dma_wait3A_133 = arith.constant 0 : i32
      %dma_wait3A_134 = tpu.memref_slice %arg2[%dma_wait3A_132, %dma_wait3A_133] : memref<10000x128xf32, #tpu.memory_space<hbm>> -> memref<10000x128xf32, #tpu.memory_space<hbm>>
      tpu.wait_indirect_dma semaphore(%arg17 : memref<!tpu.dma_semaphore, #tpu.memory_space<semaphore_mem>>) src(%dma_wait3A_134 : memref<10000x128xf32, #tpu.memory_space<hbm>>) dst(%arg13 : memref<128x128xf32, #tpu.memory_space<vmem>>)
      "tpu.region"() ({
        %run_scoped3A = tpu.sem_alloc : memref<!tpu.dma_semaphore, #tpu.memory_space<semaphore_mem>>
        %dma_start3A_178 = arith.constant 0 : i32
        %dma_start3A_179 = arith.constant 0 : i32
        %dma_start3A_180 = tpu.memref_slice %arg15[%dma_start3A_178, %dma_start3A_179] : memref<10008x128xf32, #tpu.memory_space<vmem_shared>> -> memref<10008x128xf32, #tpu.memory_space<vmem_shared>>
        tpu.enqueue_indirect_dma source(%arg13 : memref<128x128xf32, #tpu.memory_space<vmem>>) target(%dma_start3A_180 : memref<10008x128xf32, #tpu.memory_space<vmem_shared>>) offsets(%arg11 : memref<128xi32, #tpu.memory_space<vmem>>) semaphore(%run_scoped3A : memref<!tpu.dma_semaphore, #tpu.memory_space<semaphore_mem>>) {add = true}
        %dma_wait3A_181 = arith.constant 0 : i32
        %dma_wait3A_182 = arith.constant 0 : i32
        %dma_wait3A_183 = tpu.memref_slice %arg15[%dma_wait3A_181, %dma_wait3A_182] : memref<10008x128xf32, #tpu.memory_space<vmem_shared>> -> memref<10008x128xf32, #tpu.memory_space<vmem_shared>>
        tpu.wait_indirect_dma semaphore(%run_scoped3A : memref<!tpu.dma_semaphore, #tpu.memory_space<semaphore_mem>>) src(%arg13 : memref<128x128xf32, #tpu.memory_space<vmem>>) dst(%dma_wait3A_183 : memref<10008x128xf32, #tpu.memory_space<vmem_shared>>)
        tpu.yield
      }) : () -> ()
      "tpu.region"() ({
        %run_scoped3A = tpu.sem_alloc : memref<!tpu.dma_semaphore, #tpu.memory_space<semaphore_mem>>
        %dma_start3A_178 = arith.constant 0 : i32
        %dma_start3A_179 = tpu.memref_slice %arg16[%dma_start3A_178] : memref<10008xf32, #tpu.memory_space<vmem_shared>> -> memref<10008xf32, #tpu.memory_space<vmem_shared>>
        tpu.enqueue_indirect_dma source(%arg14 : memref<128xf32, #tpu.memory_space<vmem>>) target(%dma_start3A_179 : memref<10008xf32, #tpu.memory_space<vmem_shared>>) offsets(%arg11 : memref<128xi32, #tpu.memory_space<vmem>>) semaphore(%run_scoped3A : memref<!tpu.dma_semaphore, #tpu.memory_space<semaphore_mem>>) {add = true}
        %dma_wait3A_180 = arith.constant 0 : i32
        %dma_wait3A_181 = tpu.memref_slice %arg16[%dma_wait3A_180] : memref<10008xf32, #tpu.memory_space<vmem_shared>> -> memref<10008xf32, #tpu.memory_space<vmem_shared>>
        tpu.wait_indirect_dma semaphore(%run_scoped3A : memref<!tpu.dma_semaphore, #tpu.memory_space<semaphore_mem>>) src(%arg14 : memref<128xf32, #tpu.memory_space<vmem>>) dst(%dma_wait3A_181 : memref<10008xf32, #tpu.memory_space<vmem_shared>>)
        tpu.yield
      }) : () -> ()
      %add3A_135 = arith.constant 2 : i32
      %add3A_136 = arith.addi %add3A_109, %add3A_135 : i32
      %lt3A = arith.constant 80 : i32
      %lt3A_137 = arith.cmpi slt, %add3A_136, %lt3A : i32
      %convert_element_type3A_138 = arith.extui %lt3A_137 : i1 to i32
      %cond3A_139 = arith.constant 0 : i32
      %cond3A_140 = arith.cmpi ne, %convert_element_type3A_138, %cond3A_139 : i32
      scf.if %cond3A_140 {
        %add3A_178 = arith.constant 2 : i32
        %add3A_179 = arith.addi %add3A_109, %add3A_178 : i32
        %dma_start3A_180 = arith.constant 0 : i32
        %dma_start3A_181 = arith.constant 0 : i32
        %dma_start3A_182 = tpu.memref_slice %arg4[%add3A, %add3A_179, %dma_start3A_181] : memref<32x80x128xi32, #tpu.memory_space<hbm>> -> memref<1x1x128xi32, #tpu.memory_space<hbm>>
        %dma_start3A_183 = tpu.memref_squeeze %dma_start3A_182 : memref<1x1x128xi32, #tpu.memory_space<hbm>> -> memref<128xi32, #tpu.memory_space<hbm>>
        %dma_start3A_184 = tpu.memref_slice %arg18[%dma_start3A_180] : memref<2x!tpu.dma_semaphore, #tpu.memory_space<semaphore_mem>> -> memref<1x!tpu.dma_semaphore, #tpu.memory_space<semaphore_mem>>
        %dma_start3A_185 = tpu.memref_squeeze %dma_start3A_184 : memref<1x!tpu.dma_semaphore, #tpu.memory_space<semaphore_mem>> -> memref<!tpu.dma_semaphore, #tpu.memory_space<semaphore_mem>>
        %dma_start3A_186 = arith.constant 0 : i32
        %dma_start3A_187 = tpu.memref_slice %arg4[%add3A, %add3A_179, %dma_start3A_186] : memref<32x80x128xi32, #tpu.memory_space<hbm>> -> memref<1x1x128xi32, #tpu.memory_space<hbm>>
        %dma_start3A_188 = tpu.memref_squeeze %dma_start3A_187 : memref<1x1x128xi32, #tpu.memory_space<hbm>> -> memref<128xi32, #tpu.memory_space<hbm>>
        tpu.enqueue_dma source(%dma_start3A_188 : memref<128xi32, #tpu.memory_space<hbm>>) target(%arg9 : memref<128xi32, #tpu.memory_space<vmem>>) target_semaphore(%dma_start3A_185 : memref<!tpu.dma_semaphore, #tpu.memory_space<semaphore_mem>>)
        %dma_start3A_189 = arith.constant 0 : i32
        %dma_start3A_190 = arith.constant 0 : i32
        %dma_start3A_191 = tpu.memref_slice %arg3[%add3A, %add3A_179, %dma_start3A_190] : memref<32x80x128xi32, #tpu.memory_space<hbm>> -> memref<1x1x128xi32, #tpu.memory_space<hbm>>
        %dma_start3A_192 = tpu.memref_squeeze %dma_start3A_191 : memref<1x1x128xi32, #tpu.memory_space<hbm>> -> memref<128xi32, #tpu.memory_space<hbm>>
        %dma_start3A_193 = tpu.memref_slice %arg18[%dma_start3A_189] : memref<2x!tpu.dma_semaphore, #tpu.memory_space<semaphore_mem>> -> memref<1x!tpu.dma_semaphore, #tpu.memory_space<semaphore_mem>>
        %dma_start3A_194 = tpu.memref_squeeze %dma_start3A_193 : memref<1x!tpu.dma_semaphore, #tpu.memory_space<semaphore_mem>> -> memref<!tpu.dma_semaphore, #tpu.memory_space<semaphore_mem>>
        %dma_start3A_195 = arith.constant 0 : i32
        %dma_start3A_196 = tpu.memref_slice %arg3[%add3A, %add3A_179, %dma_start3A_195] : memref<32x80x128xi32, #tpu.memory_space<hbm>> -> memref<1x1x128xi32, #tpu.memory_space<hbm>>
        %dma_start3A_197 = tpu.memref_squeeze %dma_start3A_196 : memref<1x1x128xi32, #tpu.memory_space<hbm>> -> memref<128xi32, #tpu.memory_space<hbm>>
        tpu.enqueue_dma source(%dma_start3A_197 : memref<128xi32, #tpu.memory_space<hbm>>) target(%arg11 : memref<128xi32, #tpu.memory_space<vmem>>) target_semaphore(%dma_start3A_194 : memref<!tpu.dma_semaphore, #tpu.memory_space<semaphore_mem>>)
      } else {
      }
      %mul3A_141 = arith.constant 2 : i32
      %mul3A_142 = arith.muli %mul3A_141, %scan3A_105 : i32
      %add3A_143 = arith.constant 1 : i32
      %add3A_144 = arith.addi %mul3A_142, %add3A_143 : i32
      %dma_wait3A_145 = arith.constant 0 : i32
      %dma_wait3A_146 = arith.constant 1 : i32
      %dma_wait3A_147 = arith.constant 0 : i32
      %dma_wait3A_148 = tpu.memref_slice %arg4[%add3A, %dma_wait3A_145, %dma_wait3A_147] : memref<32x80x128xi32, #tpu.memory_space<hbm>> -> memref<1x1x128xi32, #tpu.memory_space<hbm>>
      %dma_wait3A_149 = tpu.memref_squeeze %dma_wait3A_148 : memref<1x1x128xi32, #tpu.memory_space<hbm>> -> memref<128xi32, #tpu.memory_space<hbm>>
      %dma_wait3A_150 = tpu.memref_slice %arg18[%dma_wait3A_146] : memref<2x!tpu.dma_semaphore, #tpu.memory_space<semaphore_mem>> -> memref<1x!tpu.dma_semaphore, #tpu.memory_space<semaphore_mem>>
      %dma_wait3A_151 = tpu.memref_squeeze %dma_wait3A_150 : memref<1x!tpu.dma_semaphore, #tpu.memory_space<semaphore_mem>> -> memref<!tpu.dma_semaphore, #tpu.memory_space<semaphore_mem>>
      %dma_wait3A_152 = arith.constant 0 : i32
      %dma_wait3A_153 = tpu.memref_slice %arg4[%add3A, %dma_wait3A_145, %dma_wait3A_152] : memref<32x80x128xi32, #tpu.memory_space<hbm>> -> memref<1x1x128xi32, #tpu.memory_space<hbm>>
      %dma_wait3A_154 = tpu.memref_squeeze %dma_wait3A_153 : memref<1x1x128xi32, #tpu.memory_space<hbm>> -> memref<128xi32, #tpu.memory_space<hbm>>
      tpu.wait_dma2 semaphore(%dma_wait3A_151 : memref<!tpu.dma_semaphore, #tpu.memory_space<semaphore_mem>>) src(%dma_wait3A_154 : memref<128xi32, #tpu.memory_space<hbm>>) dst(%arg10 : memref<128xi32, #tpu.memory_space<vmem>>)
      %dma_wait3A_155 = arith.constant 0 : i32
      %dma_wait3A_156 = arith.constant 1 : i32
      %dma_wait3A_157 = arith.constant 0 : i32
      %dma_wait3A_158 = tpu.memref_slice %arg3[%add3A, %dma_wait3A_155, %dma_wait3A_157] : memref<32x80x128xi32, #tpu.memory_space<hbm>> -> memref<1x1x128xi32, #tpu.memory_space<hbm>>
      %dma_wait3A_159 = tpu.memref_squeeze %dma_wait3A_158 : memref<1x1x128xi32, #tpu.memory_space<hbm>> -> memref<128xi32, #tpu.memory_space<hbm>>
      %dma_wait3A_160 = tpu.memref_slice %arg18[%dma_wait3A_156] : memref<2x!tpu.dma_semaphore, #tpu.memory_space<semaphore_mem>> -> memref<1x!tpu.dma_semaphore, #tpu.memory_space<semaphore_mem>>
      %dma_wait3A_161 = tpu.memref_squeeze %dma_wait3A_160 : memref<1x!tpu.dma_semaphore, #tpu.memory_space<semaphore_mem>> -> memref<!tpu.dma_semaphore, #tpu.memory_space<semaphore_mem>>
      %dma_wait3A_162 = arith.constant 0 : i32
      %dma_wait3A_163 = tpu.memref_slice %arg3[%add3A, %dma_wait3A_155, %dma_wait3A_162] : memref<32x80x128xi32, #tpu.memory_space<hbm>> -> memref<1x1x128xi32, #tpu.memory_space<hbm>>
      %dma_wait3A_164 = tpu.memref_squeeze %dma_wait3A_163 : memref<1x1x128xi32, #tpu.memory_space<hbm>> -> memref<128xi32, #tpu.memory_space<hbm>>
      tpu.wait_dma2 semaphore(%dma_wait3A_161 : memref<!tpu.dma_semaphore, #tpu.memory_space<semaphore_mem>>) src(%dma_wait3A_164 : memref<128xi32, #tpu.memory_space<hbm>>) dst(%arg12 : memref<128xi32, #tpu.memory_space<vmem>>)
      %dma_start3A_165 = arith.constant 0 : i32
      %dma_start3A_166 = arith.constant 0 : i32
      %dma_start3A_167 = tpu.memref_slice %arg2[%dma_start3A_165, %dma_start3A_166] : memref<10000x128xf32, #tpu.memory_space<hbm>> -> memref<10000x128xf32, #tpu.memory_space<hbm>>
      tpu.enqueue_indirect_dma source(%dma_start3A_167 : memref<10000x128xf32, #tpu.memory_space<hbm>>) target(%arg13 : memref<128x128xf32, #tpu.memory_space<vmem>>) offsets(%arg10 : memref<128xi32, #tpu.memory_space<vmem>>) semaphore(%arg17 : memref<!tpu.dma_semaphore, #tpu.memory_space<semaphore_mem>>)
      %dma_wait3A_168 = arith.constant 0 : i32
      %dma_wait3A_169 = arith.constant 0 : i32
      %dma_wait3A_170 = tpu.memref_slice %arg2[%dma_wait3A_168, %dma_wait3A_169] : memref<10000x128xf32, #tpu.memory_space<hbm>> -> memref<10000x128xf32, #tpu.memory_space<hbm>>
      tpu.wait_indirect_dma semaphore(%arg17 : memref<!tpu.dma_semaphore, #tpu.memory_space<semaphore_mem>>) src(%dma_wait3A_170 : memref<10000x128xf32, #tpu.memory_space<hbm>>) dst(%arg13 : memref<128x128xf32, #tpu.memory_space<vmem>>)
      "tpu.region"() ({
        %run_scoped3A = tpu.sem_alloc : memref<!tpu.dma_semaphore, #tpu.memory_space<semaphore_mem>>
        %dma_start3A_178 = arith.constant 0 : i32
        %dma_start3A_179 = arith.constant 0 : i32
        %dma_start3A_180 = tpu.memref_slice %arg15[%dma_start3A_178, %dma_start3A_179] : memref<10008x128xf32, #tpu.memory_space<vmem_shared>> -> memref<10008x128xf32, #tpu.memory_space<vmem_shared>>
        tpu.enqueue_indirect_dma source(%arg13 : memref<128x128xf32, #tpu.memory_space<vmem>>) target(%dma_start3A_180 : memref<10008x128xf32, #tpu.memory_space<vmem_shared>>) offsets(%arg12 : memref<128xi32, #tpu.memory_space<vmem>>) semaphore(%run_scoped3A : memref<!tpu.dma_semaphore, #tpu.memory_space<semaphore_mem>>) {add = true}
        %dma_wait3A_181 = arith.constant 0 : i32
        %dma_wait3A_182 = arith.constant 0 : i32
        %dma_wait3A_183 = tpu.memref_slice %arg15[%dma_wait3A_181, %dma_wait3A_182] : memref<10008x128xf32, #tpu.memory_space<vmem_shared>> -> memref<10008x128xf32, #tpu.memory_space<vmem_shared>>
        tpu.wait_indirect_dma semaphore(%run_scoped3A : memref<!tpu.dma_semaphore, #tpu.memory_space<semaphore_mem>>) src(%arg13 : memref<128x128xf32, #tpu.memory_space<vmem>>) dst(%dma_wait3A_183 : memref<10008x128xf32, #tpu.memory_space<vmem_shared>>)
        tpu.yield
      }) : () -> ()
      "tpu.region"() ({
        %run_scoped3A = tpu.sem_alloc : memref<!tpu.dma_semaphore, #tpu.memory_space<semaphore_mem>>
        %dma_start3A_178 = arith.constant 0 : i32
        %dma_start3A_179 = tpu.memref_slice %arg16[%dma_start3A_178] : memref<10008xf32, #tpu.memory_space<vmem_shared>> -> memref<10008xf32, #tpu.memory_space<vmem_shared>>
        tpu.enqueue_indirect_dma source(%arg14 : memref<128xf32, #tpu.memory_space<vmem>>) target(%dma_start3A_179 : memref<10008xf32, #tpu.memory_space<vmem_shared>>) offsets(%arg12 : memref<128xi32, #tpu.memory_space<vmem>>) semaphore(%run_scoped3A : memref<!tpu.dma_semaphore, #tpu.memory_space<semaphore_mem>>) {add = true}
        %dma_wait3A_180 = arith.constant 0 : i32
        %dma_wait3A_181 = tpu.memref_slice %arg16[%dma_wait3A_180] : memref<10008xf32, #tpu.memory_space<vmem_shared>> -> memref<10008xf32, #tpu.memory_space<vmem_shared>>
        tpu.wait_indirect_dma semaphore(%run_scoped3A : memref<!tpu.dma_semaphore, #tpu.memory_space<semaphore_mem>>) src(%arg14 : memref<128xf32, #tpu.memory_space<vmem>>) dst(%dma_wait3A_181 : memref<10008xf32, #tpu.memory_space<vmem_shared>>)
        tpu.yield
      }) : () -> ()
      %add3A_171 = arith.constant 2 : i32
      %add3A_172 = arith.addi %add3A_144, %add3A_171 : i32
      %lt3A_173 = arith.constant 80 : i32
      %lt3A_174 = arith.cmpi slt, %add3A_172, %lt3A_173 : i32
      %convert_element_type3A_175 = arith.extui %lt3A_174 : i1 to i32
      %cond3A_176 = arith.constant 0 : i32
      %cond3A_177 = arith.cmpi ne, %convert_element_type3A_175, %cond3A_176 : i32
      scf.if %cond3A_177 {
        %add3A_178 = arith.constant 2 : i32
        %add3A_179 = arith.addi %add3A_144, %add3A_178 : i32
        %dma_start3A_180 = arith.constant 1 : i32
        %dma_start3A_181 = arith.constant 0 : i32
        %dma_start3A_182 = tpu.memref_slice %arg4[%add3A, %add3A_179, %dma_start3A_181] : memref<32x80x128xi32, #tpu.memory_space<hbm>> -> memref<1x1x128xi32, #tpu.memory_space<hbm>>
        %dma_start3A_183 = tpu.memref_squeeze %dma_start3A_182 : memref<1x1x128xi32, #tpu.memory_space<hbm>> -> memref<128xi32, #tpu.memory_space<hbm>>
        %dma_start3A_184 = tpu.memref_slice %arg18[%dma_start3A_180] : memref<2x!tpu.dma_semaphore, #tpu.memory_space<semaphore_mem>> -> memref<1x!tpu.dma_semaphore, #tpu.memory_space<semaphore_mem>>
        %dma_start3A_185 = tpu.memref_squeeze %dma_start3A_184 : memref<1x!tpu.dma_semaphore, #tpu.memory_space<semaphore_mem>> -> memref<!tpu.dma_semaphore, #tpu.memory_space<semaphore_mem>>
        %dma_start3A_186 = arith.constant 0 : i32
        %dma_start3A_187 = tpu.memref_slice %arg4[%add3A, %add3A_179, %dma_start3A_186] : memref<32x80x128xi32, #tpu.memory_space<hbm>> -> memref<1x1x128xi32, #tpu.memory_space<hbm>>
        %dma_start3A_188 = tpu.memref_squeeze %dma_start3A_187 : memref<1x1x128xi32, #tpu.memory_space<hbm>> -> memref<128xi32, #tpu.memory_space<hbm>>
        tpu.enqueue_dma source(%dma_start3A_188 : memref<128xi32, #tpu.memory_space<hbm>>) target(%arg10 : memref<128xi32, #tpu.memory_space<vmem>>) target_semaphore(%dma_start3A_185 : memref<!tpu.dma_semaphore, #tpu.memory_space<semaphore_mem>>)
        %dma_start3A_189 = arith.constant 1 : i32
        %dma_start3A_190 = arith.constant 0 : i32
        %dma_start3A_191 = tpu.memref_slice %arg3[%add3A, %add3A_179, %dma_start3A_190] : memref<32x80x128xi32, #tpu.memory_space<hbm>> -> memref<1x1x128xi32, #tpu.memory_space<hbm>>
        %dma_start3A_192 = tpu.memref_squeeze %dma_start3A_191 : memref<1x1x128xi32, #tpu.memory_space<hbm>> -> memref<128xi32, #tpu.memory_space<hbm>>
        %dma_start3A_193 = tpu.memref_slice %arg18[%dma_start3A_189] : memref<2x!tpu.dma_semaphore, #tpu.memory_space<semaphore_mem>> -> memref<1x!tpu.dma_semaphore, #tpu.memory_space<semaphore_mem>>
        %dma_start3A_194 = tpu.memref_squeeze %dma_start3A_193 : memref<1x!tpu.dma_semaphore, #tpu.memory_space<semaphore_mem>> -> memref<!tpu.dma_semaphore, #tpu.memory_space<semaphore_mem>>
        %dma_start3A_195 = arith.constant 0 : i32
        %dma_start3A_196 = tpu.memref_slice %arg3[%add3A, %add3A_179, %dma_start3A_195] : memref<32x80x128xi32, #tpu.memory_space<hbm>> -> memref<1x1x128xi32, #tpu.memory_space<hbm>>
        %dma_start3A_197 = tpu.memref_squeeze %dma_start3A_196 : memref<1x1x128xi32, #tpu.memory_space<hbm>> -> memref<128xi32, #tpu.memory_space<hbm>>
        tpu.enqueue_dma source(%dma_start3A_197 : memref<128xi32, #tpu.memory_space<hbm>>) target(%arg12 : memref<128xi32, #tpu.memory_space<vmem>>) target_semaphore(%dma_start3A_194 : memref<!tpu.dma_semaphore, #tpu.memory_space<semaphore_mem>>)
      } else {
      }
    }
    %scan3A_96 = arith.constant 40 : i32
    %barrier3A_97 = arith.constant 0 : index
    tpu.barrier barrier_id(%barrier3A_97)
    %mul3A_98 = arith.constant 624 : i32
    %mul3A_99 = arith.muli %arg1, %mul3A_98 : i32
    "tpu.region"() ({
      %run_scoped3A = tpu.sem_alloc : memref<!tpu.dma_semaphore, #tpu.memory_space<semaphore_mem>>
      %dma_start3A_105 = arith.constant 0 : i32
      %dma_start3A_106 = tpu.memref_slice %arg7[%arg0, %mul3A_99, %dma_start3A_105] : memref<2x10000x128xf32, #tpu.memory_space<hbm>> -> memref<1x624x128xf32, #tpu.memory_space<hbm>>
      %dma_start3A_107 = tpu.memref_squeeze %dma_start3A_106 : memref<1x624x128xf32, #tpu.memory_space<hbm>> -> memref<624x128xf32, #tpu.memory_space<hbm>>
      %dma_start3A_108 = arith.constant 0 : i32
      %dma_start3A_109 = tpu.memref_slice %arg15[%mul3A_99, %dma_start3A_108] : memref<10008x128xf32, #tpu.memory_space<vmem_shared>> -> memref<624x128xf32, #tpu.memory_space<vmem_shared>>
      tpu.enqueue_dma source(%dma_start3A_109 : memref<624x128xf32, #tpu.memory_space<vmem_shared>>) target(%dma_start3A_107 : memref<624x128xf32, #tpu.memory_space<hbm>>) target_semaphore(%run_scoped3A : memref<!tpu.dma_semaphore, #tpu.memory_space<semaphore_mem>>)
      %dma_wait3A = arith.constant 0 : i32
      %dma_wait3A_110 = tpu.memref_slice %arg7[%arg0, %mul3A_99, %dma_wait3A] : memref<2x10000x128xf32, #tpu.memory_space<hbm>> -> memref<1x624x128xf32, #tpu.memory_space<hbm>>
      %dma_wait3A_111 = tpu.memref_squeeze %dma_wait3A_110 : memref<1x624x128xf32, #tpu.memory_space<hbm>> -> memref<624x128xf32, #tpu.memory_space<hbm>>
      %dma_wait3A_112 = arith.constant 0 : i32
      %dma_wait3A_113 = tpu.memref_slice %arg15[%mul3A_99, %dma_wait3A_112] : memref<10008x128xf32, #tpu.memory_space<vmem_shared>> -> memref<624x128xf32, #tpu.memory_space<vmem_shared>>
      tpu.wait_dma2 semaphore(%run_scoped3A : memref<!tpu.dma_semaphore, #tpu.memory_space<semaphore_mem>>) src(%dma_wait3A_113 : memref<624x128xf32, #tpu.memory_space<vmem_shared>>) dst(%dma_wait3A_111 : memref<624x128xf32, #tpu.memory_space<hbm>>)
      tpu.yield
    }) : () -> ()
    %eq3A_100 = arith.constant 0 : i32
    %eq3A_101 = arith.cmpi eq, %arg1, %eq3A_100 : i32
    %convert_element_type3A_102 = arith.extui %eq3A_101 : i1 to i32
    %cond3A_103 = arith.constant 0 : i32
    %cond3A_104 = arith.cmpi ne, %convert_element_type3A_102, %cond3A_103 : i32
    scf.if %cond3A_104 {
      "tpu.region"() ({
        %run_scoped3A = tpu.sem_alloc : memref<!tpu.dma_semaphore, #tpu.memory_space<semaphore_mem>>
        %dma_start3A_105 = arith.constant 9984 : i32
        %dma_start3A_106 = arith.constant 0 : i32
        %dma_start3A_107 = tpu.memref_slice %arg7[%arg0, %dma_start3A_105, %dma_start3A_106] : memref<2x10000x128xf32, #tpu.memory_space<hbm>> -> memref<1x16x128xf32, #tpu.memory_space<hbm>>
        %dma_start3A_108 = tpu.memref_squeeze %dma_start3A_107 : memref<1x16x128xf32, #tpu.memory_space<hbm>> -> memref<16x128xf32, #tpu.memory_space<hbm>>
        %dma_start3A_109 = arith.constant 9984 : i32
        %dma_start3A_110 = arith.constant 0 : i32
        %dma_start3A_111 = tpu.memref_slice %arg15[%dma_start3A_109, %dma_start3A_110] : memref<10008x128xf32, #tpu.memory_space<vmem_shared>> -> memref<16x128xf32, #tpu.memory_space<vmem_shared>>
        tpu.enqueue_dma source(%dma_start3A_111 : memref<16x128xf32, #tpu.memory_space<vmem_shared>>) target(%dma_start3A_108 : memref<16x128xf32, #tpu.memory_space<hbm>>) target_semaphore(%run_scoped3A : memref<!tpu.dma_semaphore, #tpu.memory_space<semaphore_mem>>)
        %dma_wait3A = arith.constant 9984 : i32
        %dma_wait3A_112 = arith.constant 0 : i32
        %dma_wait3A_113 = tpu.memref_slice %arg7[%arg0, %dma_wait3A, %dma_wait3A_112] : memref<2x10000x128xf32, #tpu.memory_space<hbm>> -> memref<1x16x128xf32, #tpu.memory_space<hbm>>
        %dma_wait3A_114 = tpu.memref_squeeze %dma_wait3A_113 : memref<1x16x128xf32, #tpu.memory_space<hbm>> -> memref<16x128xf32, #tpu.memory_space<hbm>>
        %dma_wait3A_115 = arith.constant 9984 : i32
        %dma_wait3A_116 = arith.constant 0 : i32
        %dma_wait3A_117 = tpu.memref_slice %arg15[%dma_wait3A_115, %dma_wait3A_116] : memref<10008x128xf32, #tpu.memory_space<vmem_shared>> -> memref<16x128xf32, #tpu.memory_space<vmem_shared>>
        tpu.wait_dma2 semaphore(%run_scoped3A : memref<!tpu.dma_semaphore, #tpu.memory_space<semaphore_mem>>) src(%dma_wait3A_117 : memref<16x128xf32, #tpu.memory_space<vmem_shared>>) dst(%dma_wait3A_114 : memref<16x128xf32, #tpu.memory_space<hbm>>)
        tpu.yield
      }) : () -> ()
      "tpu.region"() ({
        %run_scoped3A = tpu.sem_alloc : memref<!tpu.dma_semaphore, #tpu.memory_space<semaphore_mem>>
        %dma_start3A_105 = arith.constant 0 : i32
        %dma_start3A_106 = tpu.memref_slice %arg8[%arg0, %dma_start3A_105] : memref<2x10008xf32, #tpu.memory_space<hbm>> -> memref<1x10008xf32, #tpu.memory_space<hbm>>
        %dma_start3A_107 = tpu.memref_squeeze %dma_start3A_106 : memref<1x10008xf32, #tpu.memory_space<hbm>> -> memref<10008xf32, #tpu.memory_space<hbm>>
        tpu.enqueue_dma source(%arg16 : memref<10008xf32, #tpu.memory_space<vmem_shared>>) target(%dma_start3A_107 : memref<10008xf32, #tpu.memory_space<hbm>>) target_semaphore(%run_scoped3A : memref<!tpu.dma_semaphore, #tpu.memory_space<semaphore_mem>>)
        %dma_wait3A = arith.constant 0 : i32
        %dma_wait3A_108 = tpu.memref_slice %arg8[%arg0, %dma_wait3A] : memref<2x10008xf32, #tpu.memory_space<hbm>> -> memref<1x10008xf32, #tpu.memory_space<hbm>>
        %dma_wait3A_109 = tpu.memref_squeeze %dma_wait3A_108 : memref<1x10008xf32, #tpu.memory_space<hbm>> -> memref<10008xf32, #tpu.memory_space<hbm>>
        tpu.wait_dma2 semaphore(%run_scoped3A : memref<!tpu.dma_semaphore, #tpu.memory_space<semaphore_mem>>) src(%arg16 : memref<10008xf32, #tpu.memory_space<vmem_shared>>) dst(%dma_wait3A_109 : memref<10008xf32, #tpu.memory_space<hbm>>)
        tpu.yield
      }) : () -> ()
    } else {
    }
    return
  }
}

module attributes {stable_mosaic.version = 14 : i64} {
  func.func @body(%arg0: i32, %arg1: memref<2000x128xf32, #tpu.memory_space<vmem>>, %arg2: memref<2x2000x128xf32, #tpu.memory_space<vmem>>, %arg3: memref<2000x2xf32, #tpu.memory_space<vmem>>, %arg4: memref<128x128xf32, #tpu.memory_space<vmem>>, %arg5: memref<1x128xf32, #tpu.memory_space<vmem>>, %arg6: memref<128x128xf32, #tpu.memory_space<vmem>>, %arg7: memref<1x128xf32, #tpu.memory_space<vmem>>, %arg8: memref<2000x128xf32, #tpu.memory_space<vmem>>) attributes {dimension_semantics = [#tpu.dimension_semantics<arbitrary>], iteration_bounds = array<i64: 5>, scalar_prefetch = 0 : i64, scratch_operands = 0 : i64, tpu.core_type = #tpu.core_type<tc>, window_params = [{transform_indices = @transform_0, window_bounds = array<i64: 2000, 128>}, {transform_indices = @transform_1, window_bounds = array<i64: 2, 2000, 128>}, {transform_indices = @transform_2, window_bounds = array<i64: 2000, 2>}, {pipeline_mode = #tpu.pipeline_mode<synchronous>, transform_indices = @transform_3, window_bounds = array<i64: 128, 128>}, {pipeline_mode = #tpu.pipeline_mode<synchronous>, transform_indices = @transform_4, window_bounds = array<i64: 1, 128>}, {pipeline_mode = #tpu.pipeline_mode<synchronous>, transform_indices = @transform_5, window_bounds = array<i64: 128, 128>}, {pipeline_mode = #tpu.pipeline_mode<synchronous>, transform_indices = @transform_6, window_bounds = array<i64: 1, 128>}, {transform_indices = @transform_7, window_bounds = array<i64: 2000, 128>}]} {
    %get3A = arith.constant 0 : index
    %get3A_0 = arith.constant 0 : index
    %get3A_1 = vector.load %arg1[%get3A, %get3A_0] : memref<2000x128xf32, #tpu.memory_space<vmem>>, vector<2000x128xf32>
    %get3A_2 = arith.constant 0 : index
    %get3A_3 = arith.constant 0 : index
    %get3A_4 = vector.load %arg4[%get3A_2, %get3A_3] : memref<128x128xf32, #tpu.memory_space<vmem>>, vector<128x128xf32>
    %dot_general3A = arith.constant dense<0.000000e+00> : vector<2000x128xf32>
    %dot_general3A_5 = tpu.matmul %get3A_1, %get3A_4, %dot_general3A {dimension_numbers = #tpu.dot_dimension_numbers<[1], [0], [0], [1], [0, 0, 1, 1], [], []>, transpose_lhs_hint = false} : vector<2000x128xf32>, vector<128x128xf32>, vector<2000x128xf32> -> vector<2000x128xf32>
    %get3A_6 = arith.constant 0 : index
    %get3A_7 = arith.constant 0 : index
    %get3A_8 = vector.load %arg5[%get3A_6, %get3A_7] : memref<1x128xf32, #tpu.memory_space<vmem>>, vector<1x128xf32>
    %add3A = vector.broadcast %get3A_8 : vector<1x128xf32> to vector<2000x128xf32>
    %add3A_9 = arith.addf %dot_general3A_5, %add3A : vector<2000x128xf32>
    %get3A_10 = arith.constant 0 : index
    %get3A_11 = arith.constant 0 : index
    %get3A_12 = arith.constant 0 : index
    %get3A_13 = vector.load %arg2[%get3A_10, %get3A_11, %get3A_12] : memref<2x2000x128xf32, #tpu.memory_space<vmem>>, vector<1x2000x128xf32>
    %get3A_14 = vector.shape_cast %get3A_13 : vector<1x2000x128xf32> to vector<2000x128xf32>
    %get3A_15 = arith.constant 1 : index
    %get3A_16 = arith.constant 0 : index
    %get3A_17 = arith.constant 0 : index
    %get3A_18 = vector.load %arg2[%get3A_15, %get3A_16, %get3A_17] : memref<2x2000x128xf32, #tpu.memory_space<vmem>>, vector<1x2000x128xf32>
    %get3A_19 = vector.shape_cast %get3A_18 : vector<1x2000x128xf32> to vector<2000x128xf32>
    %add3A_20 = arith.addf %get3A_14, %get3A_19 : vector<2000x128xf32>
    %get3A_21 = arith.constant 0 : index
    %get3A_22 = arith.constant 0 : index
    %get3A_23 = vector.load %arg3[%get3A_21, %get3A_22] : memref<2000x2xf32, #tpu.memory_space<vmem>>, vector<2000x1xf32>
    %get3A_24 = arith.constant 0 : index
    %get3A_25 = arith.constant 1 : index
    %get3A_26 = vector.load %arg3[%get3A_24, %get3A_25] : memref<2000x2xf32, #tpu.memory_space<vmem>>, vector<2000x1xf32>
    %add3A_27 = arith.addf %get3A_23, %get3A_26 : vector<2000x1xf32>
    %max3A = arith.constant 1.000000e+00 : f32
    %max3A_28 = vector.broadcast %max3A : f32 to vector<2000x1xf32>
    %max3A_29 = arith.maximumf %add3A_27, %max3A_28 : vector<2000x1xf32>
    %div3A = vector.broadcast %max3A_29 : vector<2000x1xf32> to vector<2000x128xf32>
    %div3A_30 = arith.divf %add3A_20, %div3A : vector<2000x128xf32>
    %get3A_31 = arith.constant 0 : index
    %get3A_32 = arith.constant 0 : index
    %get3A_33 = vector.load %arg6[%get3A_31, %get3A_32] : memref<128x128xf32, #tpu.memory_space<vmem>>, vector<128x128xf32>
    %dot_general3A_34 = arith.constant dense<0.000000e+00> : vector<2000x128xf32>
    %dot_general3A_35 = tpu.matmul %div3A_30, %get3A_33, %dot_general3A_34 {dimension_numbers = #tpu.dot_dimension_numbers<[1], [0], [0], [1], [0, 0, 1, 1], [], []>, transpose_lhs_hint = false} : vector<2000x128xf32>, vector<128x128xf32>, vector<2000x128xf32> -> vector<2000x128xf32>
    %gt3A = arith.constant 0.000000e+00 : f32
    %gt3A_36 = vector.broadcast %gt3A : f32 to vector<2000x1xf32>
    %gt3A_37 = arith.cmpf ogt, %add3A_27, %gt3A_36 : vector<2000x1xf32>
    %get3A_38 = arith.constant 0 : index
    %get3A_39 = arith.constant 0 : index
    %get3A_40 = vector.load %arg7[%get3A_38, %get3A_39] : memref<1x128xf32, #tpu.memory_space<vmem>>, vector<1x128xf32>
    %add3A_41 = vector.broadcast %get3A_40 : vector<1x128xf32> to vector<2000x128xf32>
    %add3A_42 = arith.addf %dot_general3A_35, %add3A_41 : vector<2000x128xf32>
    %jit3A = arith.constant 0.000000e+00 : f32
    %broadcast_in_dim3A = vector.shape_cast %gt3A_37 : vector<2000x1xi1> to vector<2000x1xi1>
    %broadcast_in_dim3A_43 = vector.broadcast %broadcast_in_dim3A : vector<2000x1xi1> to vector<2000x128xi1>
    %broadcast_in_dim3A_44 = vector.broadcast %jit3A : f32 to vector<2000x128xf32>
    %select_n3A = arith.select %broadcast_in_dim3A_43, %add3A_42, %broadcast_in_dim3A_44 : vector<2000x128xi1>, vector<2000x128xf32>
    %add3A_45 = arith.addf %add3A_9, %select_n3A : vector<2000x128xf32>
    %max3A_46 = arith.constant 0.000000e+00 : f32
    %max3A_47 = vector.broadcast %max3A_46 : f32 to vector<2000x128xf32>
    %max3A_48 = arith.maximumf %add3A_45, %max3A_47 : vector<2000x128xf32>
    %swap3A = arith.constant 0 : index
    %swap3A_49 = arith.constant 0 : index
    %swap3A_50 = vector.load %arg8[%swap3A, %swap3A_49] : memref<2000x128xf32, #tpu.memory_space<vmem>>, vector<2000x128xf32>
    tpu.vector_store %arg8[%swap3A, %swap3A_49], %max3A_48 {strides = array<i32>} : memref<2000x128xf32, #tpu.memory_space<vmem>>, vector<2000x128xf32>,
    return
  }
  func.func @transform_0(%arg0: i32) -> (i32, i32) {
    %c0_i32 = arith.constant 0 : i32
    %c0_i32_0 = arith.constant 0 : i32
    return %arg0, %c0_i32 : i32, i32
  }
  func.func @transform_1(%arg0: i32) -> (i32, i32, i32) {
    %c0_i32 = arith.constant 0 : i32
    %c0_i32_0 = arith.constant 0 : i32
    %c0_i32_1 = arith.constant 0 : i32
    return %c0_i32, %arg0, %c0_i32_0 : i32, i32, i32
  }
  func.func @transform_2(%arg0: i32) -> (i32, i32) {
    %c0_i32 = arith.constant 0 : i32
    %c0_i32_0 = arith.constant 0 : i32
    return %arg0, %c0_i32 : i32, i32
  }
  func.func @transform_3(%arg0: i32) -> (i32, i32) {
    %c0_i32 = arith.constant 0 : i32
    %c0_i32_0 = arith.constant 0 : i32
    %c0_i32_1 = arith.constant 0 : i32
    return %c0_i32, %c0_i32_0 : i32, i32
  }
  func.func @transform_4(%arg0: i32) -> (i32, i32) {
    %c0_i32 = arith.constant 0 : i32
    %c0_i32_0 = arith.constant 0 : i32
    %c0_i32_1 = arith.constant 0 : i32
    return %c0_i32, %c0_i32_0 : i32, i32
  }
  func.func @transform_5(%arg0: i32) -> (i32, i32) {
    %c0_i32 = arith.constant 0 : i32
    %c0_i32_0 = arith.constant 0 : i32
    %c0_i32_1 = arith.constant 0 : i32
    return %c0_i32, %c0_i32_0 : i32, i32
  }
  func.func @transform_6(%arg0: i32) -> (i32, i32) {
    %c0_i32 = arith.constant 0 : i32
    %c0_i32_0 = arith.constant 0 : i32
    %c0_i32_1 = arith.constant 0 : i32
    return %c0_i32, %c0_i32_0 : i32, i32
  }
  func.func @transform_7(%arg0: i32) -> (i32, i32) {
    %c0_i32 = arith.constant 0 : i32
    %c0_i32_0 = arith.constant 0 : i32
    return %arg0, %c0_i32 : i32, i32
  }
}

</mosaic_0001>

<sc_bundles>
// kernel: kernel.4.cloned.1.call-start
scs
__scs_entry_jumppad:
0x0: {  	(pc) =	sbr.rel $0x88, $3  }
0x1: {  	(tag) =	ssettag $0x0;
	lr =	simm.s32 $0x1  }
0x2: {  	[smem:$0x3F9B] =	sst lr;
	_ =	strace $0xD0000000  }
0x3: {  	_ = 	snop  }
0x4: {  	_ = 	snop  }
0x5: {  	_ = 	snop  }
0x6: {  	_ = 	snop  }
0x7: {  	_ = 	snop  }
__scs_overlays_trampoline_lowered:
0x8: {  	[smem:$0x3FAA] =	sst s0  }
0x9: {  	[smem:$0x3FAB] =	sst s1  }
0xa: {  	[smem:$0x3FAC] =	sst s2  }
0xb: {  	[smem:$0x3FAD] =	sst s3  }
0xc: {  	[smem:$0x3FAE] =	sst s4  }
0xd: {  	[smem:$0x3FAF] =	sst s5  }
0xe: {  	[smem:$0x3FB0] =	sst s6  }
0xf: {  	[smem:$0x3FB1] =	sst s7  }
0x10: {  	[smem:$0x3FB2] =	sst s8  }
0x11: {  	[smem:$0x3FB3] =	sst s9;
	s0 =	simm.s32 @!p0 $0x0  }
0x12: {  	s1 =	sld [smem:$0x3F99];
	s0 =	simm.s32 @p0 $0x1  }
0x13: {  	[smem:$0x3FB4] =	sst s0;
	s0 =	simm.s32 @!p1 $0x0  }
0x14: {  	s2 =	sld [smem:$0x3F98];
	s0 =	simm.s32 @p1 $0x1  }
0x15: {  	[smem:$0x3FB5] =	sst s0;
	s0 =	simm.s32 @!p2 $0x0  }
0x16: {  	s3 =	sld [smem:$0x3FDB];
	s0 =	simm.s32 @p2 $0x1  }
0x17: {  	s4 =	simm.s32 $0x1BF5;
	[smem:$0x3FB7] =	sst s0  }
0x18: {  	s0 =	sld [smem:$0x3F9A];
	_ =	swait.ge [sflag:s4], $0x0  }
0x19: {  	s7 =	sld [smem:$0x3F9B]  }
0x1a: {  	s8 =	sadd.s32 $0xFFFFE003, lr  }
0x1b: {  	s9 =	sadd.s32 $0xFFFFFEF7, lr;
	s5 =	simm.s32 $0xFFFFFFFF;
	p2 =	slt.u32 s8, $0xFFFFF086  }
0x1c: {  	p1 =	slt.u32 s9, $0xF7A;
	s5 =	simm.s32 @!p2 $0x0  }
0x1d: {  	s5 =	simm.s32 @p1 $0x1;
	p0 =	seq.s32 s7, s2  }
0x1e: {  	s7 =	smul.u32 @!p0 $0xF7A, s2;
	p2 =	seq.s32 @!p0 s5, $0x0  }
0x1f: {  	s9 =	smul.u32 $0xF7A, s1;
	s8 =	simm.s32 @!p0 $0x1BF5;
	p2 =	por !p2, p0  }
0x20: {  	[sflag:s8] =	ssyncset.s32 @!p0 $0xFFFFF086;
	s6 =	sadd.s32 @!p0 s3, s7;
	s7 =	simm.s32 @!p0 $0x108  }
0x21: {  	s3 =	sadd.s32 s3, s9;
	s6 =	sadd.s32 @!p0 $0x88, s6;
	s7 =	simm.s32 @p2 $0x1082  }
0x22: {  	[simem:s7], [sflag:s8] =	dma.local @!p0 [hbm:s6], $0xF7A  }
0x23: {  	s9 =	sor.u32 $0xD0000000, s2;
	s6 =	simm.s32 $0x108;
	_ =	swait.ge @!p0 [sflag:s8], $0x0  }
0x24: {  	s3 =	sadd.s32 $0x88, s3;
	s6 =	simm.s32 @!p1 $0x1082;
	[sflag:s4] =	ssyncset.s32 $0xFFFFF086  }
0x25: {  	[simem:s6], [sflag:s4] =	dma.local [hbm:s3], $0xF7A  }
0x26: {  	[smem:$0x3F9B] =	sst s1;
	(tag) =	ssettag s2;
	_ =	strace s9  }
0x27: {  	s1 =	sld [smem:$0x3FAB]  }
0x28: {  	s2 =	sld [smem:$0x3FAC]  }
0x29: {  	s4 =	sld [smem:$0x3FAE]  }
0x2a: {  	p0 =	seq.s32 s5, $0x0;
	s5 =	sld [smem:$0x3FAF]  }
0x2b: {  	s6 =	sld [smem:$0x3FB0]  }
0x2c: {  	s7 =	sld [smem:$0x3FB1]  }
0x2d: {  	s3 =	simm.s32 $0x108;
	s8 =	sld [smem:$0x3FB2]  }
0x2e: {  	s3 =	simm.s32 @!p0 $0x1082;
	s9 =	sld [smem:$0x3FB3]  }
0x2f: {  	lr =	sadd.s32 s0, s3;
	s0 =	sld [smem:$0x3FAA]  }
0x30: {  	s3 =	sld [smem:$0x3FAD]  }
0x31: {  	[smem:$0x3FB6] =	sst s10  }
0x32: {  	s10 =	sld [smem:$0x3FB4];
	_ =	sdelay $0x3  }
0x33: {  	p0 =	seq.s32 s10, $0x1;
	s10 =	sld [smem:$0x3FB6];
	_ =	sdelay $0x3  }
0x34: {  	[smem:$0x3FB6] =	sst s10  }
0x35: {  	s10 =	sld [smem:$0x3FB5];
	_ =	sdelay $0x3  }
0x36: {  	p1 =	seq.s32 s10, $0x1;
	s10 =	sld [smem:$0x3FB6];
	_ =	sdelay $0x3  }
0x37: {  	[smem:$0x3FB6] =	sst s10  }
0x38: {  	s10 =	sld [smem:$0x3FB7]  }
0x39: {  	_ = 	snop;
	(pc) =	sbr.ind lr, $3  }
0x3a: {  	_ = 	snop  }
0x3b: {  	_ = 	snop  }
0x3c: {  	p2 =	seq.s32 s10, $0x1;
	s10 =	sld [smem:$0x3FB6]  }
0x3d: {  	_ =	shalt  }
0x3e: {  	_ =	shalt  }
0x3f: {  	_ =	shalt  }
0x40: {  	_ =	shalt  }
0x41: {  	_ =	shalt  }
0x42: {  	_ =	shalt  }
0x43: {  	_ =	shalt  }
0x44: {  	_ =	shalt  }
0x45: {  	_ =	shalt  }
0x46: {  	_ =	shalt  }
0x47: {  	_ =	shalt  }
0x48: {  	_ =	shalt  }
0x49: {  	_ =	shalt  }
0x4a: {  	_ =	shalt  }
0x4b: {  	_ =	shalt  }
0x4c: {  	_ =	shalt  }
0x4d: {  	_ =	shalt  }
0x4e: {  	_ =	shalt  }
0x4f: {  	_ =	shalt  }
0x50: {  	_ =	shalt  }
0x51: {  	_ =	shalt  }
0x52: {  	_ =	shalt  }
0x53: {  	_ =	shalt  }
0x54: {  	_ =	shalt  }
0x55: {  	_ =	shalt  }
0x56: {  	_ =	shalt  }
0x57: {  	_ =	shalt  }
0x58: {  	_ =	shalt  }
0x59: {  	_ =	shalt  }
0x5a: {  	_ =	shalt  }
0x5b: {  	_ =	shalt  }
0x5c: {  	_ =	shalt  }
0x5d: {  	_ =	shalt  }
0x5e: {  	_ =	shalt  }
0x5f: {  	_ =	shalt  }
0x60: {  	_ =	shalt  }
0x61: {  	_ =	shalt  }
0x62: {  	_ =	shalt  }
0x63: {  	_ =	shalt  }
0x64: {  	_ =	shalt  }
0x65: {  	_ =	shalt  }
0x66: {  	_ =	shalt  }
0x67: {  	_ =	shalt  }
0x68: {  	_ =	shalt  }
0x69: {  	_ =	shalt  }
0x6a: {  	_ =	shalt  }
0x6b: {  	_ =	shalt  }
0x6c: {  	_ =	shalt  }
0x6d: {  	_ =	shalt  }
0x6e: {  	_ =	shalt  }
0x6f: {  	_ =	shalt  }
0x70: {  	_ =	shalt  }
0x71: {  	_ =	shalt  }
0x72: {  	_ =	shalt  }
0x73: {  	_ =	shalt  }
0x74: {  	_ =	shalt  }
0x75: {  	_ =	shalt  }
0x76: {  	_ =	shalt  }
0x77: {  	_ =	shalt  }
0x78: {  	_ =	shalt  }
0x79: {  	_ =	shalt  }
0x7a: {  	_ =	shalt  }
0x7b: {  	_ =	shalt  }
0x7c: {  	_ =	shalt  }
0x7d: {  	_ =	shalt  }
0x7e: {  	_ =	shalt  }
0x7f: {  	_ =	shalt  }
0x80: {  	_ =	shalt  }
0x81: {  	_ =	shalt  }
0x82: {  	_ =	shalt  }
0x83: {  	_ =	shalt  }
0x84: {  	_ =	shalt  }
0x85: {  	_ =	shalt  }
0x86: {  	_ =	shalt  }
0x87: {  	_ =	shalt  }
.Lfunc_end0:
.L_simem_size_0:
called_computation_lowered:
.L_overlay_start_0:
0x88: {  	s2 =	sld [smem:$0x3FD9]  }
0x89: {  	s3 =	sld [smem:$0x3FFE];
	_ =	sdelay $0x1  }
0x8a: {  	s1 =	srdreg.scid  }
0x8b: {  	s0 =	sand.u32 $0x1, s1  }
0x8c: {  	s17 =	sshll.u32 s0, $0xA;
	s2 =	sadd.s32 s3, s2  }
0x8d: {  	s2 =	sadd.s32 s2, s17  }
0x8e: {  	[smem:$0x3FC2] =	sst s2  }
0x8f: {  	_ = 	snop  }
0x90: {  	s2 =	sld [smem:$0x3FC9]  }
0x91: {  	s18 =	sld [smem:$0x3FD0];
	(tm) =	ssettm $0x1  }
0x92: {  	s4 =	sld [smem:$0x3FFB];
	_ =	sdelay $0x3  }
0x93: {  	_ =	strace s4  }
0x94: {  	s4 =	sld [smem:$0x3FFC];
	_ =	sdelay $0x3  }
0x95: {  	_ =	strace s4  }
0x96: {  	s4 =	sld [smem:$0x3FFD];
	_ =	sdelay $0x3  }
0x97: {  	_ =	strace s4  }
0x98: {  	_ =	strace $0x8FFFFFFF  }
0x99: {  	s19 =	sld [smem:$0x3FDB];
	_ =	sdelay $0x1  }
0x9a: {  	s5 =	simm.s32 $_scs_section_size  }
0x9b: {  	s6 =	simm.s32 $_size__tile_overlayer_lowered;
	s7 =	simm.s32 $_tile_overlayer_lowered  }
0x9c: {  	s22 =	simm.s32 $0x1BFF;
	s21 =	sshll.u32 s7, $0x1;
	s4 =	sadd.s32 s5, s19  }
0x9d: {  	s8 =	simm.s32 $0x0;
	s20 =	sshll.u32 s6, $0x1;
	s6 =	sadd.s32 s21, s4  }
0x9e: {  	[timem:s8], [sflag:s22] =	dma.local [hbm:s6], s20  }
0x9f: {  	_ =	swait.ge [sflag:s22], s20  }
0xa0: {  	s5 =	ssub.s32 $0x0, s20;
	[sflag:s22] =	ssyncset.done $0x0  }
0xa1: {  	[sflag:s22] =	ssyncadd.s32 s5;
	_ =	sdelay $0x1  }
0xa2: {  	s23 =	simm.s32 $0x1B8B  }
0xa3: {  	_ =	swait.ge [sflag:s23], $0x1  }
0xa4: {  	[sflag:s23] =	ssyncset.done $0x0  }
0xa5: {  	s25 =	simm.s32 $0x1B8E;
	s24 =	sld [smem:$0x3FFE];
	[sflag:s23] =	ssyncadd.s32 $0xFFFFFFFF  }
0xa6: {  	s26 =	simm.s32 $execute0_lowered;
	[smem:$0x3FD2] =	sst s25  }
0xa7: {  	s6 =	sshll.u32 s26, $0x1;
	_ =	strace $0x80000046;
	[dreg:$0x1] =	wrdreg $0xFFFFFFFF  }
0xa8: {  	s28 =	simm.s32 $_size_execute0_lowered;
	s4 =	sadd.s32 s4, s6;
	[dreg:$0x0] =	wrdreg $0x0  }
0xa9: {  	s6 =	sshll.u32 s28, $0x1;
	[dreg:$0x2] =	wrdreg s4  }
0xaa: {  	[dreg:$0x3] =	wrdreg s6  }
0xab: {  	[dreg:$0x4] =	wrdreg $0xC0  }
0xac: {  	_ =	task [dreg:s8], $0x5FFFF  }
0xad: {  	[dreg:$0x1] =	wrdreg $0xFFFFFFFF  }
0xae: {  	[dreg:$0x0] =	wrdreg $0x60  }
0xaf: {  	[dreg:$0x2] =	wrdreg s2  }
0xb0: {  	[dreg:$0x3] =	wrdreg s24  }
0xb1: {  	[dreg:$0x4] =	wrdreg s18  }
0xb2: {  	[dreg:$0x5] =	wrdreg $0x42800  }
0xb3: {  	[dreg:$0x6] =	wrdreg $0x17B400  }
0xb4: {  	[dreg:$0x7] =	wrdreg $0x9  }
0xb5: {  	_ =	task.clear_ibuf [dreg:s8], $0x8FFFF;
	_ =	strace $0x90000046  }
0xb6: {  	s29 =	simm.s32 $0x9;
	_ =	strace $0x80000048  }
0xb7: {  	_ =	swait.ge [sflag:s29], $0x1  }
0xb8: {  	[sflag:s29] =	ssyncadd.s32 $0xFFFFFFFF  }
0xb9: {  	_ =	strace $0x90000048  }
0xba: {  	_ =	sfence  }
0xbb: {  	s30 =	sld [smem:$0x0];
	_ =	sdelay $0x2  }
0xbc: {  	s31 =	sshll.u32 s1, $0xD;
	s1 =	sshrl.u32 s1, $0x2  }
0xbd: {  	s3 =	sand.u32 $0x4000, s31;
	s1 =	sadd.s32 s1, s30  }
0xbe: {  	s0 =	sor.u32 s3, s0;
	s1 =	sshll.u32 s1, $0x11  }
0xbf: {  	s0 =	sor.u32 s1, s0  }
0xc0: {  	s0 =	sadd.s32 $0x8F2B, s0  }
0xc1: {  	[sflag:s0] =	ssyncadd.remote.s32 $0x1  }
0xc2: {  	_ =	sfence.sel $0xFFFF  }
0xc3: {  	[dreg:$0x0] =	wrdreg $0xFFFFFFFF;
	(pc) =	sbr.abs _section_cstart, $3  }
0xc4: {  	[dreg:$0x1] =	wrdreg $0xFFFFFFFF  }
0xc5: {  	_ =	task.clear_ibuf [dreg:s8], $0x2FFFF;
	_ =	strace $0x9FFFFFFF  }
0xc6: {  	(tm) =	ssettm $0x7FFFFFFF  }
0xc7: {  	_ =	shalt  }
tec
execute0_lowered:
.L_overlay_start_1:
0x0: {  	(tag) =	ssettag $0x1  }
0x1: {  	s0 =	rddreg [dreg:$0x0]  }
0x2: {  	s1 =	rddreg [dreg:$0x1]  }
0x3: {  	s2 =	rddreg [dreg:$0x2]  }
0x4: {  	s3 =	rddreg [dreg:$0x3]  }
0x5: {  	s4 =	rddreg [dreg:$0x4];
	s7 =	stileid.u32;
	s5 =	simm.s32 $0x0  }
0x6: {  	s24 =	srdreg.scid;
	s28 =	simm.s32 $0x1;
	s29 =	simm.s32 $0x4200  }
0x7: {  	s30 =	simm.s32 $0x3;
	s31 =	simm.s32 $0x180;
	s8 =	smul.u32 $0x13800, s7  }
0x8: {  	[smem:$0x7FF] =	sst s5;
	s6 =	sadd.s32 $0x1400, s1;
	s11 =	sadd.s32 $0xB400, s1  }
0x9: {  	s12 =	sadd.s32 $0x33600, s1;
	s14 =	sand.u32 $0x1, s24;
	s13 =	smul.u32 $0x4E000, s7  }
0xa: {  	s15 =	sshll.u32 s7, $0x1;
	s17 =	sshll.u32 s7, $0x6;
	s18 =	sadd.s32 $0x138000, s3  }
0xb: {  	p0 =	sne.s32 s7, $0x0;
	_ =	strace $0x80000047;
	[dreg:$0x6] =	wrdreg s11  }
0xc: {  	s25 =	ssub.s32 $0x2, s14;
	s15 =	sor.u32 s14, s15;
	[dreg:$0x9] =	wrdreg s18  }
0xd: {  	s22 =	smul.u32 $0x138800, s14;
	s9 =	sshrl.u32 s8, $0x3;
	s26 =	sshrl.u32 s25, $0x1  }
0xe: {  	s16 =	sshrl.u32 s13, $0x2;
	s10 =	sadd.s32 s9, s1;
	s9 =	sshll.u32 s14, $0x4  }
0xf: {  	s21 =	ssub.s32 s25, s26;
	s11 =	sadd.s32 s16, s3;
	s8 =	sadd.s32 s8, s22  }
0x10: {  	s20 =	sadd.s32 s9, s1;
	[dreg:$0x7] =	wrdreg s11;
	s9 =	smul.u32 $0x2800, s15  }
0x11: {  	s10 =	sadd.s32 $0xBA00, s10;
	s11 =	sor.u32 $0x1C04, s17;
	s1 =	sadd.s32 $0x32A00, s1  }
0x12: {  	s25 =	sshrl.u32 s8, $0x3;
	s21 =	smax.u32 s21, $0x1;
	[dreg:$0x8] =	wrdreg s10  }
0x13: {  	[dreg:$0xa] =	wrdreg s1;
	s10 =	sshrl.u32 s22, $0x3;
	s18 =	sadd.s32 s12, s25  }
0x14: {  	s20 =	sadd.s32 $0x32C00, s20;
	s22 =	simm.s32 $0x4;
	s25 =	simm.s32 $0x2  }
.Ltmp0:
0x15: {  	s19 =	sshrl.u32 s9, $0x3;
	s26 =	sadd.s32 s12, s10;
	(pc) =	sbr.rel .LBB2_1-.Ltmp0, $4  }
0x16: {  	s23 =	sadd.s32 s2, s19;
	s24 =	sadd.s32 s6, s19;
	s1 =	sor.u32 $0x10, s19  }
0x17: {  	s19 =	sadd.s32 $0x27000, s26;
	s26 =	simm.s32 $0x200;
	[dreg:$0xb] =	wrdreg s23  }
0x18: {  	[dreg:$0xc] =	wrdreg s24;
	s16 =	sadd.s32 s2, s1;
	s17 =	sadd.s32 s6, s1  }
0x19: {  	v0 =	vimm.f32 $1.000000000e+00;
	s23 =	simm.s32 $0x100;
	s24 =	simm.s32 $0x80;
	s1 =	simm.s32 $0x0  }
.LBB2_4:
0x1a: {  	[bflag:$0x0] =	sbarrier.arrive $0xFFFF  }
0x1b: {  	[hbm:s18], [sflag:s11] =	dma.local [spmem:s8], $0x2700  }
0x1c: {  	_ =	swait.ge [sflag:s22], $0x2700  }
0x1d: {  	[sflag:s22] =	ssyncset.done $0x0  }
0x1e: {  	s8 =	simm.s32 @!p0 $0x4;
	[sflag:s22] =	ssyncadd.s32 $0xFFFFD900  }
0x1f: {  	[hbm:s19], [sflag:s11] =	dma.local @!p0 [spmem:s10], $0x100  }
0x20: {  	s12 =	simm.s32 @!p0 $0x20;
	s1 =	sadd.s32 $0x1, s1;
	_ =	swait.ge @!p0 [sflag:s8], $0x100  }
0x21: {  	s13 =	simm.s32 @!p0 $0x10;
	p1 =	sne.s32 s1, s21;
	[sflag:s8] =	ssyncset.done @!p0 $0x0  }
.Ltmp1:
0x22: {  	s10 =	simm.s32 @!p0 $0x1;
	[sflag:s8] =	ssyncadd.s32 @!p0 $0xFFFFFF00;
	(pc) =	sbr.rel @!p1 .LBB2_5-.Ltmp1, $4  }
0x23: {  	[hbm:s20@s12], [sflag:s11] =	dma.strided @!p0 [spmem:s7@s13], $0x4F0, s10, $0x10   }
0x24: {  	_ =	swait.ge @!p0 [sflag:s8], $0x4F0  }
0x25: {  	[sflag:s8] =	ssyncset.done @!p0 $0x0  }
0x26: {  	[sflag:s8] =	ssyncadd.s32 @!p0 $0xFFFFFB10  }
.LBB2_1:
0x27: {  	[tilespmem:$0x4200] =	vst v0  }
0x28: {  	[tilespmem:$0x4210] =	vst v0  }
0x29: {  	[tilespmem:$0x4220] =	vst v0  }
0x2a: {  	[tilespmem:$0x4230] =	vst v0  }
0x2b: {  	[tilespmem:$0x4240] =	vst v0  }
0x2c: {  	[tilespmem:$0x4250] =	vst v0  }
0x2d: {  	[tilespmem:$0x4260] =	vst v0;
	s7 =	rddreg [dreg:$0x7]  }
0x2e: {  	[tilespmem:$0x4270] =	vst v0;
	s13 =	rddreg [dreg:$0x8];
	s8 =	sshrl.u32 s7, $0x3  }
0x2f: {  	[spmem:s8], [sflag:s11] =	dma.local [hbm:s13], $0x2700  }
0x30: {  	_ =	swait.ge [sflag:s22], $0x2700  }
0x31: {  	s12 =	simm.s32 @!p0 $0x4;
	[sflag:s22] =	ssyncset.done $0x0;
	s7 =	rddreg [dreg:$0x9]  }
0x32: {  	[sflag:s22] =	ssyncadd.s32 $0xFFFFD900;
	s10 =	sshrl.u32 @!p0 s7, $0x3;
	s7 =	rddreg [dreg:$0xa]  }
0x33: {  	[spmem:s10], [sflag:s11] =	dma.local @!p0 [hbm:s7], $0x180  }
0x34: {  	_ =	swait.ge @!p0 [sflag:s12], $0x180  }
0x35: {  	[sflag:s12] =	ssyncset.done @!p0 $0x0  }
0x36: {  	s7 =	sshrl.u32 @!p0 s4, $0x3;
	s13 =	rddreg [dreg:$0x6];
	[sflag:s12] =	ssyncadd.s32 @!p0 $0xFFFFFE80  }
0x37: {  	[spmem:s7], [sflag:s11] =	dma.local @!p0 [hbm:s13], $0x4F0  }
0x38: {  	_ =	swait.ge @!p0 [sflag:s12], $0x4F0  }
0x39: {  	[sflag:s12] =	ssyncset.done @!p0 $0x0  }
0x3a: {  	[sflag:s12] =	ssyncadd.s32 @!p0 $0xFFFFFB10  }
0x3b: {  	[bflag:$0x0] =	sbarrier.arrive $0xFFFF  }
0x3c: {  	s14 =	rddreg [dreg:$0xb]  }
0x3d: {  	[tilespmem:s5], [sflag:$0x2] =	stream.linear.gather [hbm4b:s14+s5], $0x80, $0x38;
	[tilespmem:$0x17DB8] =	vst v63  }
0x3e: {  	s15 =	rddreg [dreg:$0xc]  }
0x3f: {  	[tilespmem:s23], [sflag:$0x2] =	stream.linear.gather [hbm4b:s15+s5], $0x80, $0x38;
	[tilespmem:$0x17DB8] =	vst v63  }
0x40: {  	_ = 	snop  }
0x41: {  	[tilespmem:s24], [sflag:$0x3] =	stream.linear.gather [hbm4b:s16+s5], $0x80, $0x38;
	[tilespmem:$0x17DB8] =	vst v63  }
0x42: {  	s12 =	simm.s32 $0x180  }
0x43: {  	[tilespmem:s31], [sflag:$0x3] =	stream.linear.gather [hbm4b:s17+s5], $0x80, $0x38;
	[tilespmem:$0x17DB8] =	vst v63  }
.LBB2_2:
0x44: {  	_ =	swait.ge [sflag:s25], $0x80  }
0x45: {  	[sflag:s25] =	ssyncset.done $0x0  }
0x46: {  	[sflag:s25] =	ssyncadd.s32 $0xFFFFFF80  }
0x47: {  	_ =	swait.ge [sflag:s25], $0x80  }
0x48: {  	[sflag:s25] =	ssyncset.done $0x0  }
0x49: {  	[sflag:s25] =	ssyncadd.s32 $0xFFFFFF80  }
0x4a: {  	[tilespmem:s26], [sflag:$0x1] =	stream.indirect.gather [hbm4b:s0+s24], $0x80, s5, s24, $0xb8;
	[tilespmem:$0x17DB8] =	vst v63  }
0x4b: {  	_ =	swait.ge [sflag:s28], $0x4000  }
0x4c: {  	[sflag:s28] =	ssyncset.done $0x0  }
0x4d: {  	p1 =	seq.s32 s12, $0x2880;
	[sflag:s28] =	ssyncadd.s32 $0xFFFFC000  }
0x4e: {  	[spmem:s3] =	stream.indirect.scatter.add.f32 [tilespmem:s26], [sflag:$0x4], $0x80, s23, s24, $0xb8;
	[tilespmem:$0x17DB8] =	vst v63  }
0x4f: {  	s13 =	sadd.s32 @!p1 $0xFFFFFF80, s12;
	_ =	swait.ge [sflag:s22], $0x4000  }
0x50: {  	s14 =	sand.u32 @!p1 $0x7C00, s13;
	[sflag:s22] =	ssyncset.done $0x0  }
0x51: {  	s13 =	sand.u32 @!p1 $0x300, s13;
	s14 =	sadd.s32 @!p1 s9, s14;
	[sflag:s22] =	ssyncadd.s32 $0xFFFFC000  }
0x52: {  	[spmem:s4] =	stream.indirect.scatter.add.f32 [tilespmem:s29], [sflag:$0x4], $0x1, s23, s24, $0xb8;
	[tilespmem:$0x17DB8] =	vst v63  }
0x53: {  	s13 =	sor.u32 @!p1 s13, s14;
	_ =	swait.ge [sflag:s22], $0x80  }
0x54: {  	s13 =	sshrl.u32 @!p1 s13, $0x3;
	[sflag:s22] =	ssyncset.done $0x0  }
0x55: {  	s15 =	simm.s32 @!p1 $0x0;
	s14 =	sadd.s32 @!p1 s2, s13;
	[sflag:s22] =	ssyncadd.s32 $0xFFFFFF80  }
0x56: {  	[tilespmem:s15], [sflag:$0x2] =	stream.linear.gather @!p1 [hbm4b:s14+s15], $0x80, $0x38;
	[tilespmem:$0x17DB8] =	vst v63  }
0x57: {  	s13 =	sadd.s32 @!p1 s6, s13;
	s14 =	simm.s32 @!p1 $0x100  }
0x58: {  	[tilespmem:s14], [sflag:$0x2] =	stream.linear.gather @!p1 [hbm4b:s13+s15], $0x80, $0x38;
	[tilespmem:$0x17DB8] =	vst v63  }
0x59: {  	_ =	swait.ge [sflag:s30], $0x80  }
0x5a: {  	[sflag:s30] =	ssyncset.done $0x0  }
0x5b: {  	[sflag:s30] =	ssyncadd.s32 $0xFFFFFF80  }
0x5c: {  	_ =	swait.ge [sflag:s30], $0x80  }
0x5d: {  	[sflag:s30] =	ssyncset.done $0x0  }
0x5e: {  	[sflag:s30] =	ssyncadd.s32 $0xFFFFFF80  }
0x5f: {  	[tilespmem:s26], [sflag:$0x1] =	stream.indirect.gather [hbm4b:s0+s24], $0x80, s24, s24, $0xb8;
	[tilespmem:$0x17DB8] =	vst v63  }
0x60: {  	_ =	swait.ge [sflag:s28], $0x4000  }
0x61: {  	[sflag:s28] =	ssyncset.done $0x0  }
0x62: {  	[sflag:s28] =	ssyncadd.s32 $0xFFFFC000  }
0x63: {  	[spmem:s3] =	stream.indirect.scatter.add.f32 [tilespmem:s26], [sflag:$0x4], $0x80, s31, s24, $0xb8;
	[tilespmem:$0x17DB8] =	vst v63  }
0x64: {  	_ =	swait.ge [sflag:s22], $0x4000  }
0x65: {  	[sflag:s22] =	ssyncset.done $0x0  }
.Ltmp2:
0x66: {  	[sflag:s22] =	ssyncadd.s32 $0xFFFFC000;
	(pc) =	sbr.rel @p1 .LBB2_4-.Ltmp2, $4  }
0x67: {  	[spmem:s4] =	stream.indirect.scatter.add.f32 [tilespmem:s29], [sflag:$0x4], $0x1, s31, s24, $0xb8;
	[tilespmem:$0x17DB8] =	vst v63  }
0x68: {  	_ =	swait.ge [sflag:s22], $0x80  }
0x69: {  	[sflag:s22] =	ssyncset.done $0x0  }
0x6a: {  	[sflag:s22] =	ssyncadd.s32 $0xFFFFFF80  }
0x6b: {  	s13 =	sand.u32 $0x7C00, s12  }
0x6c: {  	s14 =	sand.u32 $0x380, s12;
	s13 =	sadd.s32 s9, s13  }
0x6d: {  	s13 =	sor.u32 s14, s13  }
.Ltmp3:
0x6e: {  	s13 =	sshrl.u32 s13, $0x3;
	(pc) =	sbr.rel .LBB2_2-.Ltmp3, $4  }
0x6f: {  	s15 =	sadd.s32 s2, s13  }
0x70: {  	[tilespmem:s24], [sflag:$0x3] =	stream.linear.gather [hbm4b:s15+s5], $0x80, $0x38;
	[tilespmem:$0x17DB8] =	vst v63  }
0x71: {  	s12 =	sadd.s32 $0x100, s12;
	s13 =	sadd.s32 s6, s13  }
0x72: {  	[tilespmem:s31], [sflag:$0x3] =	stream.linear.gather [hbm4b:s13+s5], $0x80, $0x38;
	[tilespmem:$0x17DB8] =	vst v63  }
.LBB2_5:
0x73: {  	_ =	sfence.sel $0x180000  }
0x74: {  	[bflag:$0x0] =	sbarrier.arrive $0xFFFF  }
0x75: {  	_ =	strace $0x90000047  }
0x76: {  	[bflag:$0x2] =	sbarrier.arrive $0xFFFF  }
0x77: {  	s0 =	rddreg [dreg:$0x5]  }
0x78: {  	s0 =	sadd.s32 @!p0 $0x100000, s0  }
0x79: {  	[sflag:s0] =	ssyncadd.tile.s32 @!p0 $0x1;
	_ =	shalt  }
.Lfunc_end2:
_tile_overlayer_lowered:
.L_overlay_start_2:
0x7a: {  	(tag) =	ssettag $0x2  }
0x7b: {  	s0 =	rddreg [dreg:$0x0];
	s2 =	stileid.u32  }
0x7c: {  	s1 =	rddreg [dreg:$0x1];
	p0 =	sne.s32 s2, $0x0  }
0x7d: {  	s3 =	rddreg [dreg:$0x2];
	[bflag:$0x3] =	sbarrier.arrive $0xFFFF;
	s2 =	simm.s32 @!p0 $0x1C04  }
0x7e: {  	[timem:s3], [sflag:s2] =	dma.local @!p0 [hbm:s0], s1  }
0x7f: {  	s0 =	simm.s32 @!p0 $0x4  }
0x80: {  	_ =	swait.ge @!p0 [sflag:s0], s1  }
0x81: {  	s1 =	ssub.s32 @!p0 $0x0, s1;
	[sflag:s0] =	ssyncset.done @!p0 $0x0  }
0x82: {  	[sflag:s0] =	ssyncadd.s32 @!p0 s1  }
0x83: {  	[bflag:$0x3] =	sbarrier.arrive $0xFFFF  }
0x84: {  	_ =	shalt  }

</sc_bundles>
